<compile_context>
chip_gen: v7x
topology: tpu7x:2x2x1
jax: 0.10.2.dev20260603
libtpu: 0.0.44.dev20260713+nightly
codegen_flags: <defaults>
</compile_context>

<pallas_src>
import functools

import jax
import jax.numpy as jnp
from jax import lax
from jax.experimental import pallas as pl
from jax.experimental.pallas import tpu as pltpu
from jax.experimental.pallas import tpu_sc as plsc

HIDDEN = 128
SCALE = float(HIDDEN) ** 0.5

_NC = 2
_NS = 16
_L = 16
_NW = _NC * _NS

_CH = 128
_KG = 5
_KS = 2


@functools.cache
def _make_gather(B, D):
    b_per_w = B // _NW
    n_ch = b_per_w // _CH
    n_main = (n_ch // _KG) * _KG
    assert b_per_w % _CH == 0 and n_ch > _KG
    mesh = plsc.VectorSubcoreMesh(core_axis_name="c", subcore_axis_name="s")

    @functools.partial(
        pl.kernel,
        mesh=mesh,
        out_type=jax.ShapeDtypeStruct((B, D), jnp.float32),
        scratch_types=(
            [pltpu.VMEM((n_ch, _CH), jnp.int32)]
            + [pltpu.VMEM((_CH, D), jnp.float32)] * (_KG + _KS)
            + [pltpu.SemaphoreType.DMA] * (_KG + _KS)
        ),
    )
    def k(ids_hbm, table_hbm, out_hbm, idx_v, *bufs_and_sems):
        gbuf = bufs_and_sems[:_KG]
        sbuf = bufs_and_sems[_KG:_KG + _KS]
        semg = bufs_and_sems[_KG + _KS:2 * _KG + _KS]
        sems = bufs_and_sems[2 * _KG + _KS:]
        wid = lax.axis_index("s") * _NC + lax.axis_index("c")
        base = wid * b_per_w

        pltpu.sync_copy(ids_hbm.at[wid], idx_v)

        def gather_chunk(c, bg):
            return pltpu.make_async_copy(
                table_hbm.at[idx_v.at[c]], gbuf[bg], semg[bg])

        def scatter_chunk(c, bs):
            off = pl.multiple_of(base + c * _CH, 8)
            return pltpu.make_async_copy(
                sbuf[bs], out_hbm.at[pl.ds(off, _CH)], sems[bs])

        def scale_chunk(bg, bs):
            def row_body(r, c2):
                for j in range(D // _L):
                    sl = pl.ds(j * _L, _L)
                    sbuf[bs][r, sl] = gbuf[bg][r, sl] * SCALE
                return c2

            lax.fori_loop(0, _CH, row_body, 0)

        def process(c, bg, bs, static_tail=False):
            gather_chunk(c, bg).wait()

            if static_tail:
                scale_chunk(bg, bs)
            else:
                scale_chunk(bg, bs)

                @pl.when(c + _KG < n_ch)
                def _start_next_gather():
                    gather_chunk(c + _KG, bg).start()

        for bg in range(_KG):
            gather_chunk(bg, bg).start()

        def outer(i, carry):
            for bg in range(_KG):
                process(i * _KG + bg, bg, bg % _KS)
            return carry

        lax.fori_loop(0, n_main // _KG, outer, 0)

        for c in range(n_main, n_ch):
            process(c, c % _KG, c % _KS, static_tail=True)
        scatter_chunk(0, 0).start()
        scatter_chunk(0, 0).wait()

    return k


def kernel(input_ids, table):
    ids_flat = input_ids.reshape(-1)
    B = ids_flat.shape[0]
    b_per_w = B // _NW
    ids3 = ids_flat.reshape(_NW, b_per_w // _CH, _CH)
    out = _make_gather(B, HIDDEN)(ids3, table)
    return out.reshape(*input_ids.shape, HIDDEN)

# --- scband reference (transcript-rebuilt; emitter-appended) ---
"""Pipeline reference for scband-gemma4-scaled-embedding-2035814498753 (READ-ONLY COPY).

The authoritative reference and input builder live on the scoring server;
editing this copy changes nothing except your own understanding.
"""

import jax, jax.numpy as jnp
import numpy as np

VOCAB = 1000000
HIDDEN = 128
PAD_IDX = 0


def setup_inputs(seed: int = 0) -> dict:
    key = jax.random.key(seed)
    k_idx, k_tab = jax.random.split(key)
    input_ids = jax.random.randint(k_idx, (1024, 200), 0, VOCAB, dtype=jnp.int32)
    table = jax.random.normal(k_tab, (VOCAB, HIDDEN), dtype=jnp.float32) * 0.02
    # padding_idx row is zero, as in torch nn.Embedding with padding_idx
    table = table.at[PAD_IDX].set(0.0)
    return {"input_ids": input_ids, "table": table}


def reference(input_ids, table):
    # ParallelEmbedding lookup followed by Gemma scaling by sqrt(hidden_size)
    embed_scale = HIDDEN ** 0.5
    out = jnp.take(table, input_ids, axis=0)
    return out * embed_scale

if __name__ == "__main__":
    import jax
    _d = setup_inputs()
    print(jax.jit(kernel)(*tuple(_d.values())))

</pallas_src>

<mosaic_0001>
#map = affine_map<(d0, d1) -> (0, 0, 0)>
#map1 = affine_map<(d0, d1) -> (0, 0)>
module attributes {stable_mosaic.version = 14 : i64} {
  func.func @k(%arg0: i32, %arg1: i32, %arg2: memref<32x50x128xi32, #tpu.memory_space<hbm>>, %arg3: memref<1000000x128xf32, #tpu.memory_space<hbm>>, %arg4: memref<204800x128xf32, #tpu.memory_space<hbm>>, %arg5: memref<50x128xi32, #tpu.memory_space<vmem>>, %arg6: memref<128x128xf32, #tpu.memory_space<vmem>>, %arg7: memref<128x128xf32, #tpu.memory_space<vmem>>, %arg8: memref<128x128xf32, #tpu.memory_space<vmem>>, %arg9: memref<128x128xf32, #tpu.memory_space<vmem>>, %arg10: memref<128x128xf32, #tpu.memory_space<vmem>>, %arg11: memref<128x128xf32, #tpu.memory_space<vmem>>, %arg12: memref<128x128xf32, #tpu.memory_space<vmem>>, %arg13: memref<!tpu.dma_semaphore, #tpu.memory_space<semaphore_mem>>, %arg14: memref<!tpu.dma_semaphore, #tpu.memory_space<semaphore_mem>>, %arg15: memref<!tpu.dma_semaphore, #tpu.memory_space<semaphore_mem>>, %arg16: memref<!tpu.dma_semaphore, #tpu.memory_space<semaphore_mem>>, %arg17: memref<!tpu.dma_semaphore, #tpu.memory_space<semaphore_mem>>, %arg18: memref<!tpu.dma_semaphore, #tpu.memory_space<semaphore_mem>>, %arg19: memref<!tpu.dma_semaphore, #tpu.memory_space<semaphore_mem>>) attributes {dimension_semantics = [#tpu.dimension_semantics<core_parallel>, #tpu.dimension_semantics<subcore_parallel>], iteration_bounds = array<i64: 2, 16>, scalar_prefetch = 0 : i64, scratch_operands = 15 : i64, tpu.core_type = #tpu.core_type<sc_vector_subcore>, window_params = [{transform_indices = #map}, {transform_indices = #map1}, {transform_indices = #map1}]} {
    %mul3A = arith.constant 2 : i32
    %mul3A_0 = arith.muli %arg1, %mul3A : i32
    %add3A = arith.addi %mul3A_0, %arg0 : i32
    %mul3A_1 = arith.constant 6400 : i32
    %mul3A_2 = arith.muli %add3A, %mul3A_1 : i32
    "tpu.region"() ({
      %run_scoped3A = tpu.sem_alloc : memref<!tpu.dma_semaphore, #tpu.memory_space<semaphore_mem>>
      %dma_start3A_54 = arith.constant 0 : i32
      %dma_start3A_55 = arith.constant 0 : i32
      %dma_start3A_56 = tpu.memref_slice %arg2[%add3A, %dma_start3A_54, %dma_start3A_55] : memref<32x50x128xi32, #tpu.memory_space<hbm>> -> memref<1x50x128xi32, #tpu.memory_space<hbm>>
      %dma_start3A_57 = tpu.memref_squeeze %dma_start3A_56 : memref<1x50x128xi32, #tpu.memory_space<hbm>> -> memref<50x128xi32, #tpu.memory_space<hbm>>
      %dma_start3A_58 = arith.constant 0 : i32
      %dma_start3A_59 = arith.constant 0 : i32
      %dma_start3A_60 = tpu.memref_slice %arg2[%add3A, %dma_start3A_58, %dma_start3A_59] : memref<32x50x128xi32, #tpu.memory_space<hbm>> -> memref<1x50x128xi32, #tpu.memory_space<hbm>>
      %dma_start3A_61 = tpu.memref_squeeze %dma_start3A_60 : memref<1x50x128xi32, #tpu.memory_space<hbm>> -> memref<50x128xi32, #tpu.memory_space<hbm>>
      tpu.enqueue_dma source(%dma_start3A_61 : memref<50x128xi32, #tpu.memory_space<hbm>>) target(%arg5 : memref<50x128xi32, #tpu.memory_space<vmem>>) target_semaphore(%run_scoped3A : memref<!tpu.dma_semaphore, #tpu.memory_space<semaphore_mem>>)
      %dma_wait3A_62 = arith.constant 0 : i32
      %dma_wait3A_63 = arith.constant 0 : i32
      %dma_wait3A_64 = tpu.memref_slice %arg2[%add3A, %dma_wait3A_62, %dma_wait3A_63] : memref<32x50x128xi32, #tpu.memory_space<hbm>> -> memref<1x50x128xi32, #tpu.memory_space<hbm>>
      %dma_wait3A_65 = tpu.memref_squeeze %dma_wait3A_64 : memref<1x50x128xi32, #tpu.memory_space<hbm>> -> memref<50x128xi32, #tpu.memory_space<hbm>>
      %dma_wait3A_66 = arith.constant 0 : i32
      %dma_wait3A_67 = arith.constant 0 : i32
      %dma_wait3A_68 = tpu.memref_slice %arg2[%add3A, %dma_wait3A_66, %dma_wait3A_67] : memref<32x50x128xi32, #tpu.memory_space<hbm>> -> memref<1x50x128xi32, #tpu.memory_space<hbm>>
      %dma_wait3A_69 = tpu.memref_squeeze %dma_wait3A_68 : memref<1x50x128xi32, #tpu.memory_space<hbm>> -> memref<50x128xi32, #tpu.memory_space<hbm>>
      tpu.wait_dma2 semaphore(%run_scoped3A : memref<!tpu.dma_semaphore, #tpu.memory_space<semaphore_mem>>) src(%dma_wait3A_69 : memref<50x128xi32, #tpu.memory_space<hbm>>) dst(%arg5 : memref<50x128xi32, #tpu.memory_space<vmem>>)
      tpu.yield
    }) : () -> ()
    %dma_start3A = arith.constant 0 : i32
    %dma_start3A_3 = arith.constant 0 : i32
    %dma_start3A_4 = tpu.memref_slice %arg5[%dma_start3A, %dma_start3A_3] : memref<50x128xi32, #tpu.memory_space<vmem>> -> memref<1x128xi32, #tpu.memory_space<vmem>>
    %dma_start3A_5 = tpu.memref_squeeze %dma_start3A_4 : memref<1x128xi32, #tpu.memory_space<vmem>> -> memref<128xi32, #tpu.memory_space<vmem>>
    %dma_start3A_6 = arith.constant 0 : i32
    %dma_start3A_7 = arith.constant 0 : i32
    %dma_start3A_8 = tpu.memref_slice %arg3[%dma_start3A_6, %dma_start3A_7] : memref<1000000x128xf32, #tpu.memory_space<hbm>> -> memref<1000000x128xf32, #tpu.memory_space<hbm>>
    tpu.enqueue_indirect_dma source(%dma_start3A_8 : memref<1000000x128xf32, #tpu.memory_space<hbm>>) target(%arg6 : memref<128x128xf32, #tpu.memory_space<vmem>>) offsets(%dma_start3A_5 : memref<128xi32, #tpu.memory_space<vmem>>) semaphore(%arg13 : memref<!tpu.dma_semaphore, #tpu.memory_space<semaphore_mem>>)
    %dma_start3A_9 = arith.constant 1 : i32
    %dma_start3A_10 = arith.constant 0 : i32
    %dma_start3A_11 = tpu.memref_slice %arg5[%dma_start3A_9, %dma_start3A_10] : memref<50x128xi32, #tpu.memory_space<vmem>> -> memref<1x128xi32, #tpu.memory_space<vmem>>
    %dma_start3A_12 = tpu.memref_squeeze %dma_start3A_11 : memref<1x128xi32, #tpu.memory_space<vmem>> -> memref<128xi32, #tpu.memory_space<vmem>>
    %dma_start3A_13 = arith.constant 0 : i32
    %dma_start3A_14 = arith.constant 0 : i32
    %dma_start3A_15 = tpu.memref_slice %arg3[%dma_start3A_13, %dma_start3A_14] : memref<1000000x128xf32, #tpu.memory_space<hbm>> -> memref<1000000x128xf32, #tpu.memory_space<hbm>>
    tpu.enqueue_indirect_dma source(%dma_start3A_15 : memref<1000000x128xf32, #tpu.memory_space<hbm>>) target(%arg7 : memref<128x128xf32, #tpu.memory_space<vmem>>) offsets(%dma_start3A_12 : memref<128xi32, #tpu.memory_space<vmem>>) semaphore(%arg14 : memref<!tpu.dma_semaphore, #tpu.memory_space<semaphore_mem>>)
    %dma_start3A_16 = arith.constant 2 : i32
    %dma_start3A_17 = arith.constant 0 : i32
    %dma_start3A_18 = tpu.memref_slice %arg5[%dma_start3A_16, %dma_start3A_17] : memref<50x128xi32, #tpu.memory_space<vmem>> -> memref<1x128xi32, #tpu.memory_space<vmem>>
    %dma_start3A_19 = tpu.memref_squeeze %dma_start3A_18 : memref<1x128xi32, #tpu.memory_space<vmem>> -> memref<128xi32, #tpu.memory_space<vmem>>
    %dma_start3A_20 = arith.constant 0 : i32
    %dma_start3A_21 = arith.constant 0 : i32
    %dma_start3A_22 = tpu.memref_slice %arg3[%dma_start3A_20, %dma_start3A_21] : memref<1000000x128xf32, #tpu.memory_space<hbm>> -> memref<1000000x128xf32, #tpu.memory_space<hbm>>
    tpu.enqueue_indirect_dma source(%dma_start3A_22 : memref<1000000x128xf32, #tpu.memory_space<hbm>>) target(%arg8 : memref<128x128xf32, #tpu.memory_space<vmem>>) offsets(%dma_start3A_19 : memref<128xi32, #tpu.memory_space<vmem>>) semaphore(%arg15 : memref<!tpu.dma_semaphore, #tpu.memory_space<semaphore_mem>>)
    %dma_start3A_23 = arith.constant 3 : i32
    %dma_start3A_24 = arith.constant 0 : i32
    %dma_start3A_25 = tpu.memref_slice %arg5[%dma_start3A_23, %dma_start3A_24] : memref<50x128xi32, #tpu.memory_space<vmem>> -> memref<1x128xi32, #tpu.memory_space<vmem>>
    %dma_start3A_26 = tpu.memref_squeeze %dma_start3A_25 : memref<1x128xi32, #tpu.memory_space<vmem>> -> memref<128xi32, #tpu.memory_space<vmem>>
    %dma_start3A_27 = arith.constant 0 : i32
    %dma_start3A_28 = arith.constant 0 : i32
    %dma_start3A_29 = tpu.memref_slice %arg3[%dma_start3A_27, %dma_start3A_28] : memref<1000000x128xf32, #tpu.memory_space<hbm>> -> memref<1000000x128xf32, #tpu.memory_space<hbm>>
    tpu.enqueue_indirect_dma source(%dma_start3A_29 : memref<1000000x128xf32, #tpu.memory_space<hbm>>) target(%arg9 : memref<128x128xf32, #tpu.memory_space<vmem>>) offsets(%dma_start3A_26 : memref<128xi32, #tpu.memory_space<vmem>>) semaphore(%arg16 : memref<!tpu.dma_semaphore, #tpu.memory_space<semaphore_mem>>)
    %dma_start3A_30 = arith.constant 4 : i32
    %dma_start3A_31 = arith.constant 0 : i32
    %dma_start3A_32 = tpu.memref_slice %arg5[%dma_start3A_30, %dma_start3A_31] : memref<50x128xi32, #tpu.memory_space<vmem>> -> memref<1x128xi32, #tpu.memory_space<vmem>>
    %dma_start3A_33 = tpu.memref_squeeze %dma_start3A_32 : memref<1x128xi32, #tpu.memory_space<vmem>> -> memref<128xi32, #tpu.memory_space<vmem>>
    %dma_start3A_34 = arith.constant 0 : i32
    %dma_start3A_35 = arith.constant 0 : i32
    %dma_start3A_36 = tpu.memref_slice %arg3[%dma_start3A_34, %dma_start3A_35] : memref<1000000x128xf32, #tpu.memory_space<hbm>> -> memref<1000000x128xf32, #tpu.memory_space<hbm>>
    tpu.enqueue_indirect_dma source(%dma_start3A_36 : memref<1000000x128xf32, #tpu.memory_space<hbm>>) target(%arg10 : memref<128x128xf32, #tpu.memory_space<vmem>>) offsets(%dma_start3A_33 : memref<128xi32, #tpu.memory_space<vmem>>) semaphore(%arg17 : memref<!tpu.dma_semaphore, #tpu.memory_space<semaphore_mem>>)
    %scan3A = arith.constant 0 : i32
    %scan3A_37 = arith.constant 0 : i32
    %scan3A_38 = arith.constant 10 : i32
    %scan3A_39 = arith.addi %scan3A_37, %scan3A_38 : i32
    %scan3A_40 = arith.constant 1 : i32
    scf.for %scan3A_54 = %scan3A_37 to %scan3A_39 step %scan3A_40  : i32 {
      %mul3A_55 = arith.constant 5 : i32
      %mul3A_56 = arith.muli %scan3A_54, %mul3A_55 : i32
      %add3A_57 = arith.constant 0 : i32
      %add3A_58 = arith.addi %mul3A_56, %add3A_57 : i32
      %dma_wait3A_59 = arith.constant 0 : i32
      %dma_wait3A_60 = tpu.memref_slice %arg5[%add3A_58, %dma_wait3A_59] : memref<50x128xi32, #tpu.memory_space<vmem>> -> memref<1x128xi32, #tpu.memory_space<vmem>>
      %dma_wait3A_61 = tpu.memref_squeeze %dma_wait3A_60 : memref<1x128xi32, #tpu.memory_space<vmem>> -> memref<128xi32, #tpu.memory_space<vmem>>
      %dma_wait3A_62 = arith.constant 0 : i32
      %dma_wait3A_63 = arith.constant 0 : i32
      %dma_wait3A_64 = tpu.memref_slice %arg3[%dma_wait3A_62, %dma_wait3A_63] : memref<1000000x128xf32, #tpu.memory_space<hbm>> -> memref<1000000x128xf32, #tpu.memory_space<hbm>>
      tpu.wait_indirect_dma semaphore(%arg13 : memref<!tpu.dma_semaphore, #tpu.memory_space<semaphore_mem>>) src(%dma_wait3A_64 : memref<1000000x128xf32, #tpu.memory_space<hbm>>) dst(%arg6 : memref<128x128xf32, #tpu.memory_space<vmem>>)
      %scan3A_65 = arith.constant 0 : i32
      %scan3A_66 = arith.constant 0 : i32
      %scan3A_67 = arith.constant 128 : i32
      %scan3A_68 = arith.addi %scan3A_66, %scan3A_67 : i32
      %scan3A_69 = arith.constant 1 : i32
      scf.for %scan3A_167 = %scan3A_66 to %scan3A_68 step %scan3A_69  : i32 {
        %get3A = arith.index_cast %scan3A_167 : i32 to index
        %get3A_168 = arith.constant 0 : index
        %get3A_169 = tpu.vector_load %arg6[%get3A, %get3A_168] {strides = array<i32>} : memref<128x128xf32, #tpu.memory_space<vmem>>, vector<1x16xf32>,
        %get3A_170 = vector.shape_cast %get3A_169 : vector<1x16xf32> to vector<16xf32>
        %mul3A_171 = arith.constant 11.3137083 : f32
        %mul3A_172 = vector.broadcast %mul3A_171 : f32 to vector<16xf32>
        %mul3A_173 = arith.mulf %get3A_170, %mul3A_172 : vector<16xf32>
        %swap3A = arith.index_cast %scan3A_167 : i32 to index
        %swap3A_174 = arith.constant 0 : index
        %swap3A_175 = tpu.vector_load %arg11[%swap3A, %swap3A_174] {strides = array<i32>} : memref<128x128xf32, #tpu.memory_space<vmem>>, vector<1x16xf32>,
        %swap3A_176 = vector.shape_cast %swap3A_175 : vector<1x16xf32> to vector<16xf32>
        %swap3A_177 = vector.shape_cast %mul3A_173 : vector<16xf32> to vector<1x16xf32>
        tpu.vector_store %arg11[%swap3A, %swap3A_174], %swap3A_177 {strides = array<i32>} : memref<128x128xf32, #tpu.memory_space<vmem>>, vector<1x16xf32>,
        %get3A_178 = arith.index_cast %scan3A_167 : i32 to index
        %get3A_179 = arith.constant 16 : index
        %get3A_180 = tpu.vector_load %arg6[%get3A_178, %get3A_179] {strides = array<i32>} : memref<128x128xf32, #tpu.memory_space<vmem>>, vector<1x16xf32>,
        %get3A_181 = vector.shape_cast %get3A_180 : vector<1x16xf32> to vector<16xf32>
        %mul3A_182 = arith.constant 11.3137083 : f32
        %mul3A_183 = vector.broadcast %mul3A_182 : f32 to vector<16xf32>
        %mul3A_184 = arith.mulf %get3A_181, %mul3A_183 : vector<16xf32>
        %swap3A_185 = arith.index_cast %scan3A_167 : i32 to index
        %swap3A_186 = arith.constant 16 : index
        %swap3A_187 = tpu.vector_load %arg11[%swap3A_185, %swap3A_186] {strides = array<i32>} : memref<128x128xf32, #tpu.memory_space<vmem>>, vector<1x16xf32>,
        %swap3A_188 = vector.shape_cast %swap3A_187 : vector<1x16xf32> to vector<16xf32>
        %swap3A_189 = vector.shape_cast %mul3A_184 : vector<16xf32> to vector<1x16xf32>
        tpu.vector_store %arg11[%swap3A_185, %swap3A_186], %swap3A_189 {strides = array<i32>} : memref<128x128xf32, #tpu.memory_space<vmem>>, vector<1x16xf32>,
        %get3A_190 = arith.index_cast %scan3A_167 : i32 to index
        %get3A_191 = arith.constant 32 : index
        %get3A_192 = tpu.vector_load %arg6[%get3A_190, %get3A_191] {strides = array<i32>} : memref<128x128xf32, #tpu.memory_space<vmem>>, vector<1x16xf32>,
        %get3A_193 = vector.shape_cast %get3A_192 : vector<1x16xf32> to vector<16xf32>
        %mul3A_194 = arith.constant 11.3137083 : f32
        %mul3A_195 = vector.broadcast %mul3A_194 : f32 to vector<16xf32>
        %mul3A_196 = arith.mulf %get3A_193, %mul3A_195 : vector<16xf32>
        %swap3A_197 = arith.index_cast %scan3A_167 : i32 to index
        %swap3A_198 = arith.constant 32 : index
        %swap3A_199 = tpu.vector_load %arg11[%swap3A_197, %swap3A_198] {strides = array<i32>} : memref<128x128xf32, #tpu.memory_space<vmem>>, vector<1x16xf32>,
        %swap3A_200 = vector.shape_cast %swap3A_199 : vector<1x16xf32> to vector<16xf32>
        %swap3A_201 = vector.shape_cast %mul3A_196 : vector<16xf32> to vector<1x16xf32>
        tpu.vector_store %arg11[%swap3A_197, %swap3A_198], %swap3A_201 {strides = array<i32>} : memref<128x128xf32, #tpu.memory_space<vmem>>, vector<1x16xf32>,
        %get3A_202 = arith.index_cast %scan3A_167 : i32 to index
        %get3A_203 = arith.constant 48 : index
        %get3A_204 = tpu.vector_load %arg6[%get3A_202, %get3A_203] {strides = array<i32>} : memref<128x128xf32, #tpu.memory_space<vmem>>, vector<1x16xf32>,
        %get3A_205 = vector.shape_cast %get3A_204 : vector<1x16xf32> to vector<16xf32>
        %mul3A_206 = arith.constant 11.3137083 : f32
        %mul3A_207 = vector.broadcast %mul3A_206 : f32 to vector<16xf32>
        %mul3A_208 = arith.mulf %get3A_205, %mul3A_207 : vector<16xf32>
        %swap3A_209 = arith.index_cast %scan3A_167 : i32 to index
        %swap3A_210 = arith.constant 48 : index
        %swap3A_211 = tpu.vector_load %arg11[%swap3A_209, %swap3A_210] {strides = array<i32>} : memref<128x128xf32, #tpu.memory_space<vmem>>, vector<1x16xf32>,
        %swap3A_212 = vector.shape_cast %swap3A_211 : vector<1x16xf32> to vector<16xf32>
        %swap3A_213 = vector.shape_cast %mul3A_208 : vector<16xf32> to vector<1x16xf32>
        tpu.vector_store %arg11[%swap3A_209, %swap3A_210], %swap3A_213 {strides = array<i32>} : memref<128x128xf32, #tpu.memory_space<vmem>>, vector<1x16xf32>,
        %get3A_214 = arith.index_cast %scan3A_167 : i32 to index
        %get3A_215 = arith.constant 64 : index
        %get3A_216 = tpu.vector_load %arg6[%get3A_214, %get3A_215] {strides = array<i32>} : memref<128x128xf32, #tpu.memory_space<vmem>>, vector<1x16xf32>,
        %get3A_217 = vector.shape_cast %get3A_216 : vector<1x16xf32> to vector<16xf32>
        %mul3A_218 = arith.constant 11.3137083 : f32
        %mul3A_219 = vector.broadcast %mul3A_218 : f32 to vector<16xf32>
        %mul3A_220 = arith.mulf %get3A_217, %mul3A_219 : vector<16xf32>
        %swap3A_221 = arith.index_cast %scan3A_167 : i32 to index
        %swap3A_222 = arith.constant 64 : index
        %swap3A_223 = tpu.vector_load %arg11[%swap3A_221, %swap3A_222] {strides = array<i32>} : memref<128x128xf32, #tpu.memory_space<vmem>>, vector<1x16xf32>,
        %swap3A_224 = vector.shape_cast %swap3A_223 : vector<1x16xf32> to vector<16xf32>
        %swap3A_225 = vector.shape_cast %mul3A_220 : vector<16xf32> to vector<1x16xf32>
        tpu.vector_store %arg11[%swap3A_221, %swap3A_222], %swap3A_225 {strides = array<i32>} : memref<128x128xf32, #tpu.memory_space<vmem>>, vector<1x16xf32>,
        %get3A_226 = arith.index_cast %scan3A_167 : i32 to index
        %get3A_227 = arith.constant 80 : index
        %get3A_228 = tpu.vector_load %arg6[%get3A_226, %get3A_227] {strides = array<i32>} : memref<128x128xf32, #tpu.memory_space<vmem>>, vector<1x16xf32>,
        %get3A_229 = vector.shape_cast %get3A_228 : vector<1x16xf32> to vector<16xf32>
        %mul3A_230 = arith.constant 11.3137083 : f32
        %mul3A_231 = vector.broadcast %mul3A_230 : f32 to vector<16xf32>
        %mul3A_232 = arith.mulf %get3A_229, %mul3A_231 : vector<16xf32>
        %swap3A_233 = arith.index_cast %scan3A_167 : i32 to index
        %swap3A_234 = arith.constant 80 : index
        %swap3A_235 = tpu.vector_load %arg11[%swap3A_233, %swap3A_234] {strides = array<i32>} : memref<128x128xf32, #tpu.memory_space<vmem>>, vector<1x16xf32>,
        %swap3A_236 = vector.shape_cast %swap3A_235 : vector<1x16xf32> to vector<16xf32>
        %swap3A_237 = vector.shape_cast %mul3A_232 : vector<16xf32> to vector<1x16xf32>
        tpu.vector_store %arg11[%swap3A_233, %swap3A_234], %swap3A_237 {strides = array<i32>} : memref<128x128xf32, #tpu.memory_space<vmem>>, vector<1x16xf32>,
        %get3A_238 = arith.index_cast %scan3A_167 : i32 to index
        %get3A_239 = arith.constant 96 : index
        %get3A_240 = tpu.vector_load %arg6[%get3A_238, %get3A_239] {strides = array<i32>} : memref<128x128xf32, #tpu.memory_space<vmem>>, vector<1x16xf32>,
        %get3A_241 = vector.shape_cast %get3A_240 : vector<1x16xf32> to vector<16xf32>
        %mul3A_242 = arith.constant 11.3137083 : f32
        %mul3A_243 = vector.broadcast %mul3A_242 : f32 to vector<16xf32>
        %mul3A_244 = arith.mulf %get3A_241, %mul3A_243 : vector<16xf32>
        %swap3A_245 = arith.index_cast %scan3A_167 : i32 to index
        %swap3A_246 = arith.constant 96 : index
        %swap3A_247 = tpu.vector_load %arg11[%swap3A_245, %swap3A_246] {strides = array<i32>} : memref<128x128xf32, #tpu.memory_space<vmem>>, vector<1x16xf32>,
        %swap3A_248 = vector.shape_cast %swap3A_247 : vector<1x16xf32> to vector<16xf32>
        %swap3A_249 = vector.shape_cast %mul3A_244 : vector<16xf32> to vector<1x16xf32>
        tpu.vector_store %arg11[%swap3A_245, %swap3A_246], %swap3A_249 {strides = array<i32>} : memref<128x128xf32, #tpu.memory_space<vmem>>, vector<1x16xf32>,
        %get3A_250 = arith.index_cast %scan3A_167 : i32 to index
        %get3A_251 = arith.constant 112 : index
        %get3A_252 = tpu.vector_load %arg6[%get3A_250, %get3A_251] {strides = array<i32>} : memref<128x128xf32, #tpu.memory_space<vmem>>, vector<1x16xf32>,
        %get3A_253 = vector.shape_cast %get3A_252 : vector<1x16xf32> to vector<16xf32>
        %mul3A_254 = arith.constant 11.3137083 : f32
        %mul3A_255 = vector.broadcast %mul3A_254 : f32 to vector<16xf32>
        %mul3A_256 = arith.mulf %get3A_253, %mul3A_255 : vector<16xf32>
        %swap3A_257 = arith.index_cast %scan3A_167 : i32 to index
        %swap3A_258 = arith.constant 112 : index
        %swap3A_259 = tpu.vector_load %arg11[%swap3A_257, %swap3A_258] {strides = array<i32>} : memref<128x128xf32, #tpu.memory_space<vmem>>, vector<1x16xf32>,
        %swap3A_260 = vector.shape_cast %swap3A_259 : vector<1x16xf32> to vector<16xf32>
        %swap3A_261 = vector.shape_cast %mul3A_256 : vector<16xf32> to vector<1x16xf32>
        tpu.vector_store %arg11[%swap3A_257, %swap3A_258], %swap3A_261 {strides = array<i32>} : memref<128x128xf32, #tpu.memory_space<vmem>>, vector<1x16xf32>,
      }
      %scan3A_70 = arith.constant 128 : i32
      %add3A_71 = arith.constant 5 : i32
      %add3A_72 = arith.addi %add3A_58, %add3A_71 : i32
      %lt3A = arith.constant 50 : i32
      %lt3A_73 = arith.cmpi slt, %add3A_72, %lt3A : i32
      %convert_element_type3A = arith.extui %lt3A_73 : i1 to i32
      %cond3A = arith.constant 0 : i32
      %cond3A_74 = arith.cmpi ne, %convert_element_type3A, %cond3A : i32
      scf.if %cond3A_74 {
        %add3A_167 = arith.constant 5 : i32
        %add3A_168 = arith.addi %add3A_58, %add3A_167 : i32
        %dma_start3A_169 = arith.constant 0 : i32
        %dma_start3A_170 = tpu.memref_slice %arg5[%add3A_168, %dma_start3A_169] : memref<50x128xi32, #tpu.memory_space<vmem>> -> memref<1x128xi32, #tpu.memory_space<vmem>>
        %dma_start3A_171 = tpu.memref_squeeze %dma_start3A_170 : memref<1x128xi32, #tpu.memory_space<vmem>> -> memref<128xi32, #tpu.memory_space<vmem>>
        %dma_start3A_172 = arith.constant 0 : i32
        %dma_start3A_173 = arith.constant 0 : i32
        %dma_start3A_174 = tpu.memref_slice %arg3[%dma_start3A_172, %dma_start3A_173] : memref<1000000x128xf32, #tpu.memory_space<hbm>> -> memref<1000000x128xf32, #tpu.memory_space<hbm>>
        tpu.enqueue_indirect_dma source(%dma_start3A_174 : memref<1000000x128xf32, #tpu.memory_space<hbm>>) target(%arg6 : memref<128x128xf32, #tpu.memory_space<vmem>>) offsets(%dma_start3A_171 : memref<128xi32, #tpu.memory_space<vmem>>) semaphore(%arg13 : memref<!tpu.dma_semaphore, #tpu.memory_space<semaphore_mem>>)
      } else {
      }
      %mul3A_75 = arith.constant 5 : i32
      %mul3A_76 = arith.muli %scan3A_54, %mul3A_75 : i32
      %add3A_77 = arith.constant 1 : i32
      %add3A_78 = arith.addi %mul3A_76, %add3A_77 : i32
      %dma_wait3A_79 = arith.constant 0 : i32
      %dma_wait3A_80 = tpu.memref_slice %arg5[%add3A_78, %dma_wait3A_79] : memref<50x128xi32, #tpu.memory_space<vmem>> -> memref<1x128xi32, #tpu.memory_space<vmem>>
      %dma_wait3A_81 = tpu.memref_squeeze %dma_wait3A_80 : memref<1x128xi32, #tpu.memory_space<vmem>> -> memref<128xi32, #tpu.memory_space<vmem>>
      %dma_wait3A_82 = arith.constant 0 : i32
      %dma_wait3A_83 = arith.constant 0 : i32
      %dma_wait3A_84 = tpu.memref_slice %arg3[%dma_wait3A_82, %dma_wait3A_83] : memref<1000000x128xf32, #tpu.memory_space<hbm>> -> memref<1000000x128xf32, #tpu.memory_space<hbm>>
      tpu.wait_indirect_dma semaphore(%arg14 : memref<!tpu.dma_semaphore, #tpu.memory_space<semaphore_mem>>) src(%dma_wait3A_84 : memref<1000000x128xf32, #tpu.memory_space<hbm>>) dst(%arg7 : memref<128x128xf32, #tpu.memory_space<vmem>>)
      %scan3A_85 = arith.constant 0 : i32
      %scan3A_86 = arith.constant 0 : i32
      %scan3A_87 = arith.constant 128 : i32
      %scan3A_88 = arith.addi %scan3A_86, %scan3A_87 : i32
      %scan3A_89 = arith.constant 1 : i32
      scf.for %scan3A_167 = %scan3A_86 to %scan3A_88 step %scan3A_89  : i32 {
        %get3A = arith.index_cast %scan3A_167 : i32 to index
        %get3A_168 = arith.constant 0 : index
        %get3A_169 = tpu.vector_load %arg7[%get3A, %get3A_168] {strides = array<i32>} : memref<128x128xf32, #tpu.memory_space<vmem>>, vector<1x16xf32>,
        %get3A_170 = vector.shape_cast %get3A_169 : vector<1x16xf32> to vector<16xf32>
        %mul3A_171 = arith.constant 11.3137083 : f32
        %mul3A_172 = vector.broadcast %mul3A_171 : f32 to vector<16xf32>
        %mul3A_173 = arith.mulf %get3A_170, %mul3A_172 : vector<16xf32>
        %swap3A = arith.index_cast %scan3A_167 : i32 to index
        %swap3A_174 = arith.constant 0 : index
        %swap3A_175 = tpu.vector_load %arg12[%swap3A, %swap3A_174] {strides = array<i32>} : memref<128x128xf32, #tpu.memory_space<vmem>>, vector<1x16xf32>,
        %swap3A_176 = vector.shape_cast %swap3A_175 : vector<1x16xf32> to vector<16xf32>
        %swap3A_177 = vector.shape_cast %mul3A_173 : vector<16xf32> to vector<1x16xf32>
        tpu.vector_store %arg12[%swap3A, %swap3A_174], %swap3A_177 {strides = array<i32>} : memref<128x128xf32, #tpu.memory_space<vmem>>, vector<1x16xf32>,
        %get3A_178 = arith.index_cast %scan3A_167 : i32 to index
        %get3A_179 = arith.constant 16 : index
        %get3A_180 = tpu.vector_load %arg7[%get3A_178, %get3A_179] {strides = array<i32>} : memref<128x128xf32, #tpu.memory_space<vmem>>, vector<1x16xf32>,
        %get3A_181 = vector.shape_cast %get3A_180 : vector<1x16xf32> to vector<16xf32>
        %mul3A_182 = arith.constant 11.3137083 : f32
        %mul3A_183 = vector.broadcast %mul3A_182 : f32 to vector<16xf32>
        %mul3A_184 = arith.mulf %get3A_181, %mul3A_183 : vector<16xf32>
        %swap3A_185 = arith.index_cast %scan3A_167 : i32 to index
        %swap3A_186 = arith.constant 16 : index
        %swap3A_187 = tpu.vector_load %arg12[%swap3A_185, %swap3A_186] {strides = array<i32>} : memref<128x128xf32, #tpu.memory_space<vmem>>, vector<1x16xf32>,
        %swap3A_188 = vector.shape_cast %swap3A_187 : vector<1x16xf32> to vector<16xf32>
        %swap3A_189 = vector.shape_cast %mul3A_184 : vector<16xf32> to vector<1x16xf32>
        tpu.vector_store %arg12[%swap3A_185, %swap3A_186], %swap3A_189 {strides = array<i32>} : memref<128x128xf32, #tpu.memory_space<vmem>>, vector<1x16xf32>,
        %get3A_190 = arith.index_cast %scan3A_167 : i32 to index
        %get3A_191 = arith.constant 32 : index
        %get3A_192 = tpu.vector_load %arg7[%get3A_190, %get3A_191] {strides = array<i32>} : memref<128x128xf32, #tpu.memory_space<vmem>>, vector<1x16xf32>,
        %get3A_193 = vector.shape_cast %get3A_192 : vector<1x16xf32> to vector<16xf32>
        %mul3A_194 = arith.constant 11.3137083 : f32
        %mul3A_195 = vector.broadcast %mul3A_194 : f32 to vector<16xf32>
        %mul3A_196 = arith.mulf %get3A_193, %mul3A_195 : vector<16xf32>
        %swap3A_197 = arith.index_cast %scan3A_167 : i32 to index
        %swap3A_198 = arith.constant 32 : index
        %swap3A_199 = tpu.vector_load %arg12[%swap3A_197, %swap3A_198] {strides = array<i32>} : memref<128x128xf32, #tpu.memory_space<vmem>>, vector<1x16xf32>,
        %swap3A_200 = vector.shape_cast %swap3A_199 : vector<1x16xf32> to vector<16xf32>
        %swap3A_201 = vector.shape_cast %mul3A_196 : vector<16xf32> to vector<1x16xf32>
        tpu.vector_store %arg12[%swap3A_197, %swap3A_198], %swap3A_201 {strides = array<i32>} : memref<128x128xf32, #tpu.memory_space<vmem>>, vector<1x16xf32>,
        %get3A_202 = arith.index_cast %scan3A_167 : i32 to index
        %get3A_203 = arith.constant 48 : index
        %get3A_204 = tpu.vector_load %arg7[%get3A_202, %get3A_203] {strides = array<i32>} : memref<128x128xf32, #tpu.memory_space<vmem>>, vector<1x16xf32>,
        %get3A_205 = vector.shape_cast %get3A_204 : vector<1x16xf32> to vector<16xf32>
        %mul3A_206 = arith.constant 11.3137083 : f32
        %mul3A_207 = vector.broadcast %mul3A_206 : f32 to vector<16xf32>
        %mul3A_208 = arith.mulf %get3A_205, %mul3A_207 : vector<16xf32>
        %swap3A_209 = arith.index_cast %scan3A_167 : i32 to index
        %swap3A_210 = arith.constant 48 : index
        %swap3A_211 = tpu.vector_load %arg12[%swap3A_209, %swap3A_210] {strides = array<i32>} : memref<128x128xf32, #tpu.memory_space<vmem>>, vector<1x16xf32>,
        %swap3A_212 = vector.shape_cast %swap3A_211 : vector<1x16xf32> to vector<16xf32>
        %swap3A_213 = vector.shape_cast %mul3A_208 : vector<16xf32> to vector<1x16xf32>
        tpu.vector_store %arg12[%swap3A_209, %swap3A_210], %swap3A_213 {strides = array<i32>} : memref<128x128xf32, #tpu.memory_space<vmem>>, vector<1x16xf32>,
        %get3A_214 = arith.index_cast %scan3A_167 : i32 to index
        %get3A_215 = arith.constant 64 : index
        %get3A_216 = tpu.vector_load %arg7[%get3A_214, %get3A_215] {strides = array<i32>} : memref<128x128xf32, #tpu.memory_space<vmem>>, vector<1x16xf32>,
        %get3A_217 = vector.shape_cast %get3A_216 : vector<1x16xf32> to vector<16xf32>
        %mul3A_218 = arith.constant 11.3137083 : f32
        %mul3A_219 = vector.broadcast %mul3A_218 : f32 to vector<16xf32>
        %mul3A_220 = arith.mulf %get3A_217, %mul3A_219 : vector<16xf32>
        %swap3A_221 = arith.index_cast %scan3A_167 : i32 to index
        %swap3A_222 = arith.constant 64 : index
        %swap3A_223 = tpu.vector_load %arg12[%swap3A_221, %swap3A_222] {strides = array<i32>} : memref<128x128xf32, #tpu.memory_space<vmem>>, vector<1x16xf32>,
        %swap3A_224 = vector.shape_cast %swap3A_223 : vector<1x16xf32> to vector<16xf32>
        %swap3A_225 = vector.shape_cast %mul3A_220 : vector<16xf32> to vector<1x16xf32>
        tpu.vector_store %arg12[%swap3A_221, %swap3A_222], %swap3A_225 {strides = array<i32>} : memref<128x128xf32, #tpu.memory_space<vmem>>, vector<1x16xf32>,
        %get3A_226 = arith.index_cast %scan3A_167 : i32 to index
        %get3A_227 = arith.constant 80 : index
        %get3A_228 = tpu.vector_load %arg7[%get3A_226, %get3A_227] {strides = array<i32>} : memref<128x128xf32, #tpu.memory_space<vmem>>, vector<1x16xf32>,
        %get3A_229 = vector.shape_cast %get3A_228 : vector<1x16xf32> to vector<16xf32>
        %mul3A_230 = arith.constant 11.3137083 : f32
        %mul3A_231 = vector.broadcast %mul3A_230 : f32 to vector<16xf32>
        %mul3A_232 = arith.mulf %get3A_229, %mul3A_231 : vector<16xf32>
        %swap3A_233 = arith.index_cast %scan3A_167 : i32 to index
        %swap3A_234 = arith.constant 80 : index
        %swap3A_235 = tpu.vector_load %arg12[%swap3A_233, %swap3A_234] {strides = array<i32>} : memref<128x128xf32, #tpu.memory_space<vmem>>, vector<1x16xf32>,
        %swap3A_236 = vector.shape_cast %swap3A_235 : vector<1x16xf32> to vector<16xf32>
        %swap3A_237 = vector.shape_cast %mul3A_232 : vector<16xf32> to vector<1x16xf32>
        tpu.vector_store %arg12[%swap3A_233, %swap3A_234], %swap3A_237 {strides = array<i32>} : memref<128x128xf32, #tpu.memory_space<vmem>>, vector<1x16xf32>,
        %get3A_238 = arith.index_cast %scan3A_167 : i32 to index
        %get3A_239 = arith.constant 96 : index
        %get3A_240 = tpu.vector_load %arg7[%get3A_238, %get3A_239] {strides = array<i32>} : memref<128x128xf32, #tpu.memory_space<vmem>>, vector<1x16xf32>,
        %get3A_241 = vector.shape_cast %get3A_240 : vector<1x16xf32> to vector<16xf32>
        %mul3A_242 = arith.constant 11.3137083 : f32
        %mul3A_243 = vector.broadcast %mul3A_242 : f32 to vector<16xf32>
        %mul3A_244 = arith.mulf %get3A_241, %mul3A_243 : vector<16xf32>
        %swap3A_245 = arith.index_cast %scan3A_167 : i32 to index
        %swap3A_246 = arith.constant 96 : index
        %swap3A_247 = tpu.vector_load %arg12[%swap3A_245, %swap3A_246] {strides = array<i32>} : memref<128x128xf32, #tpu.memory_space<vmem>>, vector<1x16xf32>,
        %swap3A_248 = vector.shape_cast %swap3A_247 : vector<1x16xf32> to vector<16xf32>
        %swap3A_249 = vector.shape_cast %mul3A_244 : vector<16xf32> to vector<1x16xf32>
        tpu.vector_store %arg12[%swap3A_245, %swap3A_246], %swap3A_249 {strides = array<i32>} : memref<128x128xf32, #tpu.memory_space<vmem>>, vector<1x16xf32>,
        %get3A_250 = arith.index_cast %scan3A_167 : i32 to index
        %get3A_251 = arith.constant 112 : index
        %get3A_252 = tpu.vector_load %arg7[%get3A_250, %get3A_251] {strides = array<i32>} : memref<128x128xf32, #tpu.memory_space<vmem>>, vector<1x16xf32>,
        %get3A_253 = vector.shape_cast %get3A_252 : vector<1x16xf32> to vector<16xf32>
        %mul3A_254 = arith.constant 11.3137083 : f32
        %mul3A_255 = vector.broadcast %mul3A_254 : f32 to vector<16xf32>
        %mul3A_256 = arith.mulf %get3A_253, %mul3A_255 : vector<16xf32>
        %swap3A_257 = arith.index_cast %scan3A_167 : i32 to index
        %swap3A_258 = arith.constant 112 : index
        %swap3A_259 = tpu.vector_load %arg12[%swap3A_257, %swap3A_258] {strides = array<i32>} : memref<128x128xf32, #tpu.memory_space<vmem>>, vector<1x16xf32>,
        %swap3A_260 = vector.shape_cast %swap3A_259 : vector<1x16xf32> to vector<16xf32>
        %swap3A_261 = vector.shape_cast %mul3A_256 : vector<16xf32> to vector<1x16xf32>
        tpu.vector_store %arg12[%swap3A_257, %swap3A_258], %swap3A_261 {strides = array<i32>} : memref<128x128xf32, #tpu.memory_space<vmem>>, vector<1x16xf32>,
      }
      %scan3A_90 = arith.constant 128 : i32
      %add3A_91 = arith.constant 5 : i32
      %add3A_92 = arith.addi %add3A_78, %add3A_91 : i32
      %lt3A_93 = arith.constant 50 : i32
      %lt3A_94 = arith.cmpi slt, %add3A_92, %lt3A_93 : i32
      %convert_element_type3A_95 = arith.extui %lt3A_94 : i1 to i32
      %cond3A_96 = arith.constant 0 : i32
      %cond3A_97 = arith.cmpi ne, %convert_element_type3A_95, %cond3A_96 : i32
      scf.if %cond3A_97 {
        %add3A_167 = arith.constant 5 : i32
        %add3A_168 = arith.addi %add3A_78, %add3A_167 : i32
        %dma_start3A_169 = arith.constant 0 : i32
        %dma_start3A_170 = tpu.memref_slice %arg5[%add3A_168, %dma_start3A_169] : memref<50x128xi32, #tpu.memory_space<vmem>> -> memref<1x128xi32, #tpu.memory_space<vmem>>
        %dma_start3A_171 = tpu.memref_squeeze %dma_start3A_170 : memref<1x128xi32, #tpu.memory_space<vmem>> -> memref<128xi32, #tpu.memory_space<vmem>>
        %dma_start3A_172 = arith.constant 0 : i32
        %dma_start3A_173 = arith.constant 0 : i32
        %dma_start3A_174 = tpu.memref_slice %arg3[%dma_start3A_172, %dma_start3A_173] : memref<1000000x128xf32, #tpu.memory_space<hbm>> -> memref<1000000x128xf32, #tpu.memory_space<hbm>>
        tpu.enqueue_indirect_dma source(%dma_start3A_174 : memref<1000000x128xf32, #tpu.memory_space<hbm>>) target(%arg7 : memref<128x128xf32, #tpu.memory_space<vmem>>) offsets(%dma_start3A_171 : memref<128xi32, #tpu.memory_space<vmem>>) semaphore(%arg14 : memref<!tpu.dma_semaphore, #tpu.memory_space<semaphore_mem>>)
      } else {
      }
      %mul3A_98 = arith.constant 5 : i32
      %mul3A_99 = arith.muli %scan3A_54, %mul3A_98 : i32
      %add3A_100 = arith.constant 2 : i32
      %add3A_101 = arith.addi %mul3A_99, %add3A_100 : i32
      %dma_wait3A_102 = arith.constant 0 : i32
      %dma_wait3A_103 = tpu.memref_slice %arg5[%add3A_101, %dma_wait3A_102] : memref<50x128xi32, #tpu.memory_space<vmem>> -> memref<1x128xi32, #tpu.memory_space<vmem>>
      %dma_wait3A_104 = tpu.memref_squeeze %dma_wait3A_103 : memref<1x128xi32, #tpu.memory_space<vmem>> -> memref<128xi32, #tpu.memory_space<vmem>>
      %dma_wait3A_105 = arith.constant 0 : i32
      %dma_wait3A_106 = arith.constant 0 : i32
      %dma_wait3A_107 = tpu.memref_slice %arg3[%dma_wait3A_105, %dma_wait3A_106] : memref<1000000x128xf32, #tpu.memory_space<hbm>> -> memref<1000000x128xf32, #tpu.memory_space<hbm>>
      tpu.wait_indirect_dma semaphore(%arg15 : memref<!tpu.dma_semaphore, #tpu.memory_space<semaphore_mem>>) src(%dma_wait3A_107 : memref<1000000x128xf32, #tpu.memory_space<hbm>>) dst(%arg8 : memref<128x128xf32, #tpu.memory_space<vmem>>)
      %scan3A_108 = arith.constant 0 : i32
      %scan3A_109 = arith.constant 0 : i32
      %scan3A_110 = arith.constant 128 : i32
      %scan3A_111 = arith.addi %scan3A_109, %scan3A_110 : i32
      %scan3A_112 = arith.constant 1 : i32
      scf.for %scan3A_167 = %scan3A_109 to %scan3A_111 step %scan3A_112  : i32 {
        %get3A = arith.index_cast %scan3A_167 : i32 to index
        %get3A_168 = arith.constant 0 : index
        %get3A_169 = tpu.vector_load %arg8[%get3A, %get3A_168] {strides = array<i32>} : memref<128x128xf32, #tpu.memory_space<vmem>>, vector<1x16xf32>,
        %get3A_170 = vector.shape_cast %get3A_169 : vector<1x16xf32> to vector<16xf32>
        %mul3A_171 = arith.constant 11.3137083 : f32
        %mul3A_172 = vector.broadcast %mul3A_171 : f32 to vector<16xf32>
        %mul3A_173 = arith.mulf %get3A_170, %mul3A_172 : vector<16xf32>
        %swap3A = arith.index_cast %scan3A_167 : i32 to index
        %swap3A_174 = arith.constant 0 : index
        %swap3A_175 = tpu.vector_load %arg11[%swap3A, %swap3A_174] {strides = array<i32>} : memref<128x128xf32, #tpu.memory_space<vmem>>, vector<1x16xf32>,
        %swap3A_176 = vector.shape_cast %swap3A_175 : vector<1x16xf32> to vector<16xf32>
        %swap3A_177 = vector.shape_cast %mul3A_173 : vector<16xf32> to vector<1x16xf32>
        tpu.vector_store %arg11[%swap3A, %swap3A_174], %swap3A_177 {strides = array<i32>} : memref<128x128xf32, #tpu.memory_space<vmem>>, vector<1x16xf32>,
        %get3A_178 = arith.index_cast %scan3A_167 : i32 to index
        %get3A_179 = arith.constant 16 : index
        %get3A_180 = tpu.vector_load %arg8[%get3A_178, %get3A_179] {strides = array<i32>} : memref<128x128xf32, #tpu.memory_space<vmem>>, vector<1x16xf32>,
        %get3A_181 = vector.shape_cast %get3A_180 : vector<1x16xf32> to vector<16xf32>
        %mul3A_182 = arith.constant 11.3137083 : f32
        %mul3A_183 = vector.broadcast %mul3A_182 : f32 to vector<16xf32>
        %mul3A_184 = arith.mulf %get3A_181, %mul3A_183 : vector<16xf32>
        %swap3A_185 = arith.index_cast %scan3A_167 : i32 to index
        %swap3A_186 = arith.constant 16 : index
        %swap3A_187 = tpu.vector_load %arg11[%swap3A_185, %swap3A_186] {strides = array<i32>} : memref<128x128xf32, #tpu.memory_space<vmem>>, vector<1x16xf32>,
        %swap3A_188 = vector.shape_cast %swap3A_187 : vector<1x16xf32> to vector<16xf32>
        %swap3A_189 = vector.shape_cast %mul3A_184 : vector<16xf32> to vector<1x16xf32>
        tpu.vector_store %arg11[%swap3A_185, %swap3A_186], %swap3A_189 {strides = array<i32>} : memref<128x128xf32, #tpu.memory_space<vmem>>, vector<1x16xf32>,
        %get3A_190 = arith.index_cast %scan3A_167 : i32 to index
        %get3A_191 = arith.constant 32 : index
        %get3A_192 = tpu.vector_load %arg8[%get3A_190, %get3A_191] {strides = array<i32>} : memref<128x128xf32, #tpu.memory_space<vmem>>, vector<1x16xf32>,
        %get3A_193 = vector.shape_cast %get3A_192 : vector<1x16xf32> to vector<16xf32>
        %mul3A_194 = arith.constant 11.3137083 : f32
        %mul3A_195 = vector.broadcast %mul3A_194 : f32 to vector<16xf32>
        %mul3A_196 = arith.mulf %get3A_193, %mul3A_195 : vector<16xf32>
        %swap3A_197 = arith.index_cast %scan3A_167 : i32 to index
        %swap3A_198 = arith.constant 32 : index
        %swap3A_199 = tpu.vector_load %arg11[%swap3A_197, %swap3A_198] {strides = array<i32>} : memref<128x128xf32, #tpu.memory_space<vmem>>, vector<1x16xf32>,
        %swap3A_200 = vector.shape_cast %swap3A_199 : vector<1x16xf32> to vector<16xf32>
        %swap3A_201 = vector.shape_cast %mul3A_196 : vector<16xf32> to vector<1x16xf32>
        tpu.vector_store %arg11[%swap3A_197, %swap3A_198], %swap3A_201 {strides = array<i32>} : memref<128x128xf32, #tpu.memory_space<vmem>>, vector<1x16xf32>,
        %get3A_202 = arith.index_cast %scan3A_167 : i32 to index
        %get3A_203 = arith.constant 48 : index
        %get3A_204 = tpu.vector_load %arg8[%get3A_202, %get3A_203] {strides = array<i32>} : memref<128x128xf32, #tpu.memory_space<vmem>>, vector<1x16xf32>,
        %get3A_205 = vector.shape_cast %get3A_204 : vector<1x16xf32> to vector<16xf32>
        %mul3A_206 = arith.constant 11.3137083 : f32
        %mul3A_207 = vector.broadcast %mul3A_206 : f32 to vector<16xf32>
        %mul3A_208 = arith.mulf %get3A_205, %mul3A_207 : vector<16xf32>
        %swap3A_209 = arith.index_cast %scan3A_167 : i32 to index
        %swap3A_210 = arith.constant 48 : index
        %swap3A_211 = tpu.vector_load %arg11[%swap3A_209, %swap3A_210] {strides = array<i32>} : memref<128x128xf32, #tpu.memory_space<vmem>>, vector<1x16xf32>,
        %swap3A_212 = vector.shape_cast %swap3A_211 : vector<1x16xf32> to vector<16xf32>
        %swap3A_213 = vector.shape_cast %mul3A_208 : vector<16xf32> to vector<1x16xf32>
        tpu.vector_store %arg11[%swap3A_209, %swap3A_210], %swap3A_213 {strides = array<i32>} : memref<128x128xf32, #tpu.memory_space<vmem>>, vector<1x16xf32>,
        %get3A_214 = arith.index_cast %scan3A_167 : i32 to index
        %get3A_215 = arith.constant 64 : index
        %get3A_216 = tpu.vector_load %arg8[%get3A_214, %get3A_215] {strides = array<i32>} : memref<128x128xf32, #tpu.memory_space<vmem>>, vector<1x16xf32>,
        %get3A_217 = vector.shape_cast %get3A_216 : vector<1x16xf32> to vector<16xf32>
        %mul3A_218 = arith.constant 11.3137083 : f32
        %mul3A_219 = vector.broadcast %mul3A_218 : f32 to vector<16xf32>
        %mul3A_220 = arith.mulf %get3A_217, %mul3A_219 : vector<16xf32>
        %swap3A_221 = arith.index_cast %scan3A_167 : i32 to index
        %swap3A_222 = arith.constant 64 : index
        %swap3A_223 = tpu.vector_load %arg11[%swap3A_221, %swap3A_222] {strides = array<i32>} : memref<128x128xf32, #tpu.memory_space<vmem>>, vector<1x16xf32>,
        %swap3A_224 = vector.shape_cast %swap3A_223 : vector<1x16xf32> to vector<16xf32>
        %swap3A_225 = vector.shape_cast %mul3A_220 : vector<16xf32> to vector<1x16xf32>
        tpu.vector_store %arg11[%swap3A_221, %swap3A_222], %swap3A_225 {strides = array<i32>} : memref<128x128xf32, #tpu.memory_space<vmem>>, vector<1x16xf32>,
        %get3A_226 = arith.index_cast %scan3A_167 : i32 to index
        %get3A_227 = arith.constant 80 : index
        %get3A_228 = tpu.vector_load %arg8[%get3A_226, %get3A_227] {strides = array<i32>} : memref<128x128xf32, #tpu.memory_space<vmem>>, vector<1x16xf32>,
        %get3A_229 = vector.shape_cast %get3A_228 : vector<1x16xf32> to vector<16xf32>
        %mul3A_230 = arith.constant 11.3137083 : f32
        %mul3A_231 = vector.broadcast %mul3A_230 : f32 to vector<16xf32>
        %mul3A_232 = arith.mulf %get3A_229, %mul3A_231 : vector<16xf32>
        %swap3A_233 = arith.index_cast %scan3A_167 : i32 to index
        %swap3A_234 = arith.constant 80 : index
        %swap3A_235 = tpu.vector_load %arg11[%swap3A_233, %swap3A_234] {strides = array<i32>} : memref<128x128xf32, #tpu.memory_space<vmem>>, vector<1x16xf32>,
        %swap3A_236 = vector.shape_cast %swap3A_235 : vector<1x16xf32> to vector<16xf32>
        %swap3A_237 = vector.shape_cast %mul3A_232 : vector<16xf32> to vector<1x16xf32>
        tpu.vector_store %arg11[%swap3A_233, %swap3A_234], %swap3A_237 {strides = array<i32>} : memref<128x128xf32, #tpu.memory_space<vmem>>, vector<1x16xf32>,
        %get3A_238 = arith.index_cast %scan3A_167 : i32 to index
        %get3A_239 = arith.constant 96 : index
        %get3A_240 = tpu.vector_load %arg8[%get3A_238, %get3A_239] {strides = array<i32>} : memref<128x128xf32, #tpu.memory_space<vmem>>, vector<1x16xf32>,
        %get3A_241 = vector.shape_cast %get3A_240 : vector<1x16xf32> to vector<16xf32>
        %mul3A_242 = arith.constant 11.3137083 : f32
        %mul3A_243 = vector.broadcast %mul3A_242 : f32 to vector<16xf32>
        %mul3A_244 = arith.mulf %get3A_241, %mul3A_243 : vector<16xf32>
        %swap3A_245 = arith.index_cast %scan3A_167 : i32 to index
        %swap3A_246 = arith.constant 96 : index
        %swap3A_247 = tpu.vector_load %arg11[%swap3A_245, %swap3A_246] {strides = array<i32>} : memref<128x128xf32, #tpu.memory_space<vmem>>, vector<1x16xf32>,
        %swap3A_248 = vector.shape_cast %swap3A_247 : vector<1x16xf32> to vector<16xf32>
        %swap3A_249 = vector.shape_cast %mul3A_244 : vector<16xf32> to vector<1x16xf32>
        tpu.vector_store %arg11[%swap3A_245, %swap3A_246], %swap3A_249 {strides = array<i32>} : memref<128x128xf32, #tpu.memory_space<vmem>>, vector<1x16xf32>,
        %get3A_250 = arith.index_cast %scan3A_167 : i32 to index
        %get3A_251 = arith.constant 112 : index
        %get3A_252 = tpu.vector_load %arg8[%get3A_250, %get3A_251] {strides = array<i32>} : memref<128x128xf32, #tpu.memory_space<vmem>>, vector<1x16xf32>,
        %get3A_253 = vector.shape_cast %get3A_252 : vector<1x16xf32> to vector<16xf32>
        %mul3A_254 = arith.constant 11.3137083 : f32
        %mul3A_255 = vector.broadcast %mul3A_254 : f32 to vector<16xf32>
        %mul3A_256 = arith.mulf %get3A_253, %mul3A_255 : vector<16xf32>
        %swap3A_257 = arith.index_cast %scan3A_167 : i32 to index
        %swap3A_258 = arith.constant 112 : index
        %swap3A_259 = tpu.vector_load %arg11[%swap3A_257, %swap3A_258] {strides = array<i32>} : memref<128x128xf32, #tpu.memory_space<vmem>>, vector<1x16xf32>,
        %swap3A_260 = vector.shape_cast %swap3A_259 : vector<1x16xf32> to vector<16xf32>
        %swap3A_261 = vector.shape_cast %mul3A_256 : vector<16xf32> to vector<1x16xf32>
        tpu.vector_store %arg11[%swap3A_257, %swap3A_258], %swap3A_261 {strides = array<i32>} : memref<128x128xf32, #tpu.memory_space<vmem>>, vector<1x16xf32>,
      }
      %scan3A_113 = arith.constant 128 : i32
      %add3A_114 = arith.constant 5 : i32
      %add3A_115 = arith.addi %add3A_101, %add3A_114 : i32
      %lt3A_116 = arith.constant 50 : i32
      %lt3A_117 = arith.cmpi slt, %add3A_115, %lt3A_116 : i32
      %convert_element_type3A_118 = arith.extui %lt3A_117 : i1 to i32
      %cond3A_119 = arith.constant 0 : i32
      %cond3A_120 = arith.cmpi ne, %convert_element_type3A_118, %cond3A_119 : i32
      scf.if %cond3A_120 {
        %add3A_167 = arith.constant 5 : i32
        %add3A_168 = arith.addi %add3A_101, %add3A_167 : i32
        %dma_start3A_169 = arith.constant 0 : i32
        %dma_start3A_170 = tpu.memref_slice %arg5[%add3A_168, %dma_start3A_169] : memref<50x128xi32, #tpu.memory_space<vmem>> -> memref<1x128xi32, #tpu.memory_space<vmem>>
        %dma_start3A_171 = tpu.memref_squeeze %dma_start3A_170 : memref<1x128xi32, #tpu.memory_space<vmem>> -> memref<128xi32, #tpu.memory_space<vmem>>
        %dma_start3A_172 = arith.constant 0 : i32
        %dma_start3A_173 = arith.constant 0 : i32
        %dma_start3A_174 = tpu.memref_slice %arg3[%dma_start3A_172, %dma_start3A_173] : memref<1000000x128xf32, #tpu.memory_space<hbm>> -> memref<1000000x128xf32, #tpu.memory_space<hbm>>
        tpu.enqueue_indirect_dma source(%dma_start3A_174 : memref<1000000x128xf32, #tpu.memory_space<hbm>>) target(%arg8 : memref<128x128xf32, #tpu.memory_space<vmem>>) offsets(%dma_start3A_171 : memref<128xi32, #tpu.memory_space<vmem>>) semaphore(%arg15 : memref<!tpu.dma_semaphore, #tpu.memory_space<semaphore_mem>>)
      } else {
      }
      %mul3A_121 = arith.constant 5 : i32
      %mul3A_122 = arith.muli %scan3A_54, %mul3A_121 : i32
      %add3A_123 = arith.constant 3 : i32
      %add3A_124 = arith.addi %mul3A_122, %add3A_123 : i32
      %dma_wait3A_125 = arith.constant 0 : i32
      %dma_wait3A_126 = tpu.memref_slice %arg5[%add3A_124, %dma_wait3A_125] : memref<50x128xi32, #tpu.memory_space<vmem>> -> memref<1x128xi32, #tpu.memory_space<vmem>>
      %dma_wait3A_127 = tpu.memref_squeeze %dma_wait3A_126 : memref<1x128xi32, #tpu.memory_space<vmem>> -> memref<128xi32, #tpu.memory_space<vmem>>
      %dma_wait3A_128 = arith.constant 0 : i32
      %dma_wait3A_129 = arith.constant 0 : i32
      %dma_wait3A_130 = tpu.memref_slice %arg3[%dma_wait3A_128, %dma_wait3A_129] : memref<1000000x128xf32, #tpu.memory_space<hbm>> -> memref<1000000x128xf32, #tpu.memory_space<hbm>>
      tpu.wait_indirect_dma semaphore(%arg16 : memref<!tpu.dma_semaphore, #tpu.memory_space<semaphore_mem>>) src(%dma_wait3A_130 : memref<1000000x128xf32, #tpu.memory_space<hbm>>) dst(%arg9 : memref<128x128xf32, #tpu.memory_space<vmem>>)
      %scan3A_131 = arith.constant 0 : i32
      %scan3A_132 = arith.constant 0 : i32
      %scan3A_133 = arith.constant 128 : i32
      %scan3A_134 = arith.addi %scan3A_132, %scan3A_133 : i32
      %scan3A_135 = arith.constant 1 : i32
      scf.for %scan3A_167 = %scan3A_132 to %scan3A_134 step %scan3A_135  : i32 {
        %get3A = arith.index_cast %scan3A_167 : i32 to index
        %get3A_168 = arith.constant 0 : index
        %get3A_169 = tpu.vector_load %arg9[%get3A, %get3A_168] {strides = array<i32>} : memref<128x128xf32, #tpu.memory_space<vmem>>, vector<1x16xf32>,
        %get3A_170 = vector.shape_cast %get3A_169 : vector<1x16xf32> to vector<16xf32>
        %mul3A_171 = arith.constant 11.3137083 : f32
        %mul3A_172 = vector.broadcast %mul3A_171 : f32 to vector<16xf32>
        %mul3A_173 = arith.mulf %get3A_170, %mul3A_172 : vector<16xf32>
        %swap3A = arith.index_cast %scan3A_167 : i32 to index
        %swap3A_174 = arith.constant 0 : index
        %swap3A_175 = tpu.vector_load %arg12[%swap3A, %swap3A_174] {strides = array<i32>} : memref<128x128xf32, #tpu.memory_space<vmem>>, vector<1x16xf32>,
        %swap3A_176 = vector.shape_cast %swap3A_175 : vector<1x16xf32> to vector<16xf32>
        %swap3A_177 = vector.shape_cast %mul3A_173 : vector<16xf32> to vector<1x16xf32>
        tpu.vector_store %arg12[%swap3A, %swap3A_174], %swap3A_177 {strides = array<i32>} : memref<128x128xf32, #tpu.memory_space<vmem>>, vector<1x16xf32>,
        %get3A_178 = arith.index_cast %scan3A_167 : i32 to index
        %get3A_179 = arith.constant 16 : index
        %get3A_180 = tpu.vector_load %arg9[%get3A_178, %get3A_179] {strides = array<i32>} : memref<128x128xf32, #tpu.memory_space<vmem>>, vector<1x16xf32>,
        %get3A_181 = vector.shape_cast %get3A_180 : vector<1x16xf32> to vector<16xf32>
        %mul3A_182 = arith.constant 11.3137083 : f32
        %mul3A_183 = vector.broadcast %mul3A_182 : f32 to vector<16xf32>
        %mul3A_184 = arith.mulf %get3A_181, %mul3A_183 : vector<16xf32>
        %swap3A_185 = arith.index_cast %scan3A_167 : i32 to index
        %swap3A_186 = arith.constant 16 : index
        %swap3A_187 = tpu.vector_load %arg12[%swap3A_185, %swap3A_186] {strides = array<i32>} : memref<128x128xf32, #tpu.memory_space<vmem>>, vector<1x16xf32>,
        %swap3A_188 = vector.shape_cast %swap3A_187 : vector<1x16xf32> to vector<16xf32>
        %swap3A_189 = vector.shape_cast %mul3A_184 : vector<16xf32> to vector<1x16xf32>
        tpu.vector_store %arg12[%swap3A_185, %swap3A_186], %swap3A_189 {strides = array<i32>} : memref<128x128xf32, #tpu.memory_space<vmem>>, vector<1x16xf32>,
        %get3A_190 = arith.index_cast %scan3A_167 : i32 to index
        %get3A_191 = arith.constant 32 : index
        %get3A_192 = tpu.vector_load %arg9[%get3A_190, %get3A_191] {strides = array<i32>} : memref<128x128xf32, #tpu.memory_space<vmem>>, vector<1x16xf32>,
        %get3A_193 = vector.shape_cast %get3A_192 : vector<1x16xf32> to vector<16xf32>
        %mul3A_194 = arith.constant 11.3137083 : f32
        %mul3A_195 = vector.broadcast %mul3A_194 : f32 to vector<16xf32>
        %mul3A_196 = arith.mulf %get3A_193, %mul3A_195 : vector<16xf32>
        %swap3A_197 = arith.index_cast %scan3A_167 : i32 to index
        %swap3A_198 = arith.constant 32 : index
        %swap3A_199 = tpu.vector_load %arg12[%swap3A_197, %swap3A_198] {strides = array<i32>} : memref<128x128xf32, #tpu.memory_space<vmem>>, vector<1x16xf32>,
        %swap3A_200 = vector.shape_cast %swap3A_199 : vector<1x16xf32> to vector<16xf32>
        %swap3A_201 = vector.shape_cast %mul3A_196 : vector<16xf32> to vector<1x16xf32>
        tpu.vector_store %arg12[%swap3A_197, %swap3A_198], %swap3A_201 {strides = array<i32>} : memref<128x128xf32, #tpu.memory_space<vmem>>, vector<1x16xf32>,
        %get3A_202 = arith.index_cast %scan3A_167 : i32 to index
        %get3A_203 = arith.constant 48 : index
        %get3A_204 = tpu.vector_load %arg9[%get3A_202, %get3A_203] {strides = array<i32>} : memref<128x128xf32, #tpu.memory_space<vmem>>, vector<1x16xf32>,
        %get3A_205 = vector.shape_cast %get3A_204 : vector<1x16xf32> to vector<16xf32>
        %mul3A_206 = arith.constant 11.3137083 : f32
        %mul3A_207 = vector.broadcast %mul3A_206 : f32 to vector<16xf32>
        %mul3A_208 = arith.mulf %get3A_205, %mul3A_207 : vector<16xf32>
        %swap3A_209 = arith.index_cast %scan3A_167 : i32 to index
        %swap3A_210 = arith.constant 48 : index
        %swap3A_211 = tpu.vector_load %arg12[%swap3A_209, %swap3A_210] {strides = array<i32>} : memref<128x128xf32, #tpu.memory_space<vmem>>, vector<1x16xf32>,
        %swap3A_212 = vector.shape_cast %swap3A_211 : vector<1x16xf32> to vector<16xf32>
        %swap3A_213 = vector.shape_cast %mul3A_208 : vector<16xf32> to vector<1x16xf32>
        tpu.vector_store %arg12[%swap3A_209, %swap3A_210], %swap3A_213 {strides = array<i32>} : memref<128x128xf32, #tpu.memory_space<vmem>>, vector<1x16xf32>,
        %get3A_214 = arith.index_cast %scan3A_167 : i32 to index
        %get3A_215 = arith.constant 64 : index
        %get3A_216 = tpu.vector_load %arg9[%get3A_214, %get3A_215] {strides = array<i32>} : memref<128x128xf32, #tpu.memory_space<vmem>>, vector<1x16xf32>,
        %get3A_217 = vector.shape_cast %get3A_216 : vector<1x16xf32> to vector<16xf32>
        %mul3A_218 = arith.constant 11.3137083 : f32
        %mul3A_219 = vector.broadcast %mul3A_218 : f32 to vector<16xf32>
        %mul3A_220 = arith.mulf %get3A_217, %mul3A_219 : vector<16xf32>
        %swap3A_221 = arith.index_cast %scan3A_167 : i32 to index
        %swap3A_222 = arith.constant 64 : index
        %swap3A_223 = tpu.vector_load %arg12[%swap3A_221, %swap3A_222] {strides = array<i32>} : memref<128x128xf32, #tpu.memory_space<vmem>>, vector<1x16xf32>,
        %swap3A_224 = vector.shape_cast %swap3A_223 : vector<1x16xf32> to vector<16xf32>
        %swap3A_225 = vector.shape_cast %mul3A_220 : vector<16xf32> to vector<1x16xf32>
        tpu.vector_store %arg12[%swap3A_221, %swap3A_222], %swap3A_225 {strides = array<i32>} : memref<128x128xf32, #tpu.memory_space<vmem>>, vector<1x16xf32>,
        %get3A_226 = arith.index_cast %scan3A_167 : i32 to index
        %get3A_227 = arith.constant 80 : index
        %get3A_228 = tpu.vector_load %arg9[%get3A_226, %get3A_227] {strides = array<i32>} : memref<128x128xf32, #tpu.memory_space<vmem>>, vector<1x16xf32>,
        %get3A_229 = vector.shape_cast %get3A_228 : vector<1x16xf32> to vector<16xf32>
        %mul3A_230 = arith.constant 11.3137083 : f32
        %mul3A_231 = vector.broadcast %mul3A_230 : f32 to vector<16xf32>
        %mul3A_232 = arith.mulf %get3A_229, %mul3A_231 : vector<16xf32>
        %swap3A_233 = arith.index_cast %scan3A_167 : i32 to index
        %swap3A_234 = arith.constant 80 : index
        %swap3A_235 = tpu.vector_load %arg12[%swap3A_233, %swap3A_234] {strides = array<i32>} : memref<128x128xf32, #tpu.memory_space<vmem>>, vector<1x16xf32>,
        %swap3A_236 = vector.shape_cast %swap3A_235 : vector<1x16xf32> to vector<16xf32>
        %swap3A_237 = vector.shape_cast %mul3A_232 : vector<16xf32> to vector<1x16xf32>
        tpu.vector_store %arg12[%swap3A_233, %swap3A_234], %swap3A_237 {strides = array<i32>} : memref<128x128xf32, #tpu.memory_space<vmem>>, vector<1x16xf32>,
        %get3A_238 = arith.index_cast %scan3A_167 : i32 to index
        %get3A_239 = arith.constant 96 : index
        %get3A_240 = tpu.vector_load %arg9[%get3A_238, %get3A_239] {strides = array<i32>} : memref<128x128xf32, #tpu.memory_space<vmem>>, vector<1x16xf32>,
        %get3A_241 = vector.shape_cast %get3A_240 : vector<1x16xf32> to vector<16xf32>
        %mul3A_242 = arith.constant 11.3137083 : f32
        %mul3A_243 = vector.broadcast %mul3A_242 : f32 to vector<16xf32>
        %mul3A_244 = arith.mulf %get3A_241, %mul3A_243 : vector<16xf32>
        %swap3A_245 = arith.index_cast %scan3A_167 : i32 to index
        %swap3A_246 = arith.constant 96 : index
        %swap3A_247 = tpu.vector_load %arg12[%swap3A_245, %swap3A_246] {strides = array<i32>} : memref<128x128xf32, #tpu.memory_space<vmem>>, vector<1x16xf32>,
        %swap3A_248 = vector.shape_cast %swap3A_247 : vector<1x16xf32> to vector<16xf32>
        %swap3A_249 = vector.shape_cast %mul3A_244 : vector<16xf32> to vector<1x16xf32>
        tpu.vector_store %arg12[%swap3A_245, %swap3A_246], %swap3A_249 {strides = array<i32>} : memref<128x128xf32, #tpu.memory_space<vmem>>, vector<1x16xf32>,
        %get3A_250 = arith.index_cast %scan3A_167 : i32 to index
        %get3A_251 = arith.constant 112 : index
        %get3A_252 = tpu.vector_load %arg9[%get3A_250, %get3A_251] {strides = array<i32>} : memref<128x128xf32, #tpu.memory_space<vmem>>, vector<1x16xf32>,
        %get3A_253 = vector.shape_cast %get3A_252 : vector<1x16xf32> to vector<16xf32>
        %mul3A_254 = arith.constant 11.3137083 : f32
        %mul3A_255 = vector.broadcast %mul3A_254 : f32 to vector<16xf32>
        %mul3A_256 = arith.mulf %get3A_253, %mul3A_255 : vector<16xf32>
        %swap3A_257 = arith.index_cast %scan3A_167 : i32 to index
        %swap3A_258 = arith.constant 112 : index
        %swap3A_259 = tpu.vector_load %arg12[%swap3A_257, %swap3A_258] {strides = array<i32>} : memref<128x128xf32, #tpu.memory_space<vmem>>, vector<1x16xf32>,
        %swap3A_260 = vector.shape_cast %swap3A_259 : vector<1x16xf32> to vector<16xf32>
        %swap3A_261 = vector.shape_cast %mul3A_256 : vector<16xf32> to vector<1x16xf32>
        tpu.vector_store %arg12[%swap3A_257, %swap3A_258], %swap3A_261 {strides = array<i32>} : memref<128x128xf32, #tpu.memory_space<vmem>>, vector<1x16xf32>,
      }
      %scan3A_136 = arith.constant 128 : i32
      %add3A_137 = arith.constant 5 : i32
      %add3A_138 = arith.addi %add3A_124, %add3A_137 : i32
      %lt3A_139 = arith.constant 50 : i32
      %lt3A_140 = arith.cmpi slt, %add3A_138, %lt3A_139 : i32
      %convert_element_type3A_141 = arith.extui %lt3A_140 : i1 to i32
      %cond3A_142 = arith.constant 0 : i32
      %cond3A_143 = arith.cmpi ne, %convert_element_type3A_141, %cond3A_142 : i32
      scf.if %cond3A_143 {
        %add3A_167 = arith.constant 5 : i32
        %add3A_168 = arith.addi %add3A_124, %add3A_167 : i32
        %dma_start3A_169 = arith.constant 0 : i32
        %dma_start3A_170 = tpu.memref_slice %arg5[%add3A_168, %dma_start3A_169] : memref<50x128xi32, #tpu.memory_space<vmem>> -> memref<1x128xi32, #tpu.memory_space<vmem>>
        %dma_start3A_171 = tpu.memref_squeeze %dma_start3A_170 : memref<1x128xi32, #tpu.memory_space<vmem>> -> memref<128xi32, #tpu.memory_space<vmem>>
        %dma_start3A_172 = arith.constant 0 : i32
        %dma_start3A_173 = arith.constant 0 : i32
        %dma_start3A_174 = tpu.memref_slice %arg3[%dma_start3A_172, %dma_start3A_173] : memref<1000000x128xf32, #tpu.memory_space<hbm>> -> memref<1000000x128xf32, #tpu.memory_space<hbm>>
        tpu.enqueue_indirect_dma source(%dma_start3A_174 : memref<1000000x128xf32, #tpu.memory_space<hbm>>) target(%arg9 : memref<128x128xf32, #tpu.memory_space<vmem>>) offsets(%dma_start3A_171 : memref<128xi32, #tpu.memory_space<vmem>>) semaphore(%arg16 : memref<!tpu.dma_semaphore, #tpu.memory_space<semaphore_mem>>)
      } else {
      }
      %mul3A_144 = arith.constant 5 : i32
      %mul3A_145 = arith.muli %scan3A_54, %mul3A_144 : i32
      %add3A_146 = arith.constant 4 : i32
      %add3A_147 = arith.addi %mul3A_145, %add3A_146 : i32
      %dma_wait3A_148 = arith.constant 0 : i32
      %dma_wait3A_149 = tpu.memref_slice %arg5[%add3A_147, %dma_wait3A_148] : memref<50x128xi32, #tpu.memory_space<vmem>> -> memref<1x128xi32, #tpu.memory_space<vmem>>
      %dma_wait3A_150 = tpu.memref_squeeze %dma_wait3A_149 : memref<1x128xi32, #tpu.memory_space<vmem>> -> memref<128xi32, #tpu.memory_space<vmem>>
      %dma_wait3A_151 = arith.constant 0 : i32
      %dma_wait3A_152 = arith.constant 0 : i32
      %dma_wait3A_153 = tpu.memref_slice %arg3[%dma_wait3A_151, %dma_wait3A_152] : memref<1000000x128xf32, #tpu.memory_space<hbm>> -> memref<1000000x128xf32, #tpu.memory_space<hbm>>
      tpu.wait_indirect_dma semaphore(%arg17 : memref<!tpu.dma_semaphore, #tpu.memory_space<semaphore_mem>>) src(%dma_wait3A_153 : memref<1000000x128xf32, #tpu.memory_space<hbm>>) dst(%arg10 : memref<128x128xf32, #tpu.memory_space<vmem>>)
      %scan3A_154 = arith.constant 0 : i32
      %scan3A_155 = arith.constant 0 : i32
      %scan3A_156 = arith.constant 128 : i32
      %scan3A_157 = arith.addi %scan3A_155, %scan3A_156 : i32
      %scan3A_158 = arith.constant 1 : i32
      scf.for %scan3A_167 = %scan3A_155 to %scan3A_157 step %scan3A_158  : i32 {
        %get3A = arith.index_cast %scan3A_167 : i32 to index
        %get3A_168 = arith.constant 0 : index
        %get3A_169 = tpu.vector_load %arg10[%get3A, %get3A_168] {strides = array<i32>} : memref<128x128xf32, #tpu.memory_space<vmem>>, vector<1x16xf32>,
        %get3A_170 = vector.shape_cast %get3A_169 : vector<1x16xf32> to vector<16xf32>
        %mul3A_171 = arith.constant 11.3137083 : f32
        %mul3A_172 = vector.broadcast %mul3A_171 : f32 to vector<16xf32>
        %mul3A_173 = arith.mulf %get3A_170, %mul3A_172 : vector<16xf32>
        %swap3A = arith.index_cast %scan3A_167 : i32 to index
        %swap3A_174 = arith.constant 0 : index
        %swap3A_175 = tpu.vector_load %arg11[%swap3A, %swap3A_174] {strides = array<i32>} : memref<128x128xf32, #tpu.memory_space<vmem>>, vector<1x16xf32>,
        %swap3A_176 = vector.shape_cast %swap3A_175 : vector<1x16xf32> to vector<16xf32>
        %swap3A_177 = vector.shape_cast %mul3A_173 : vector<16xf32> to vector<1x16xf32>
        tpu.vector_store %arg11[%swap3A, %swap3A_174], %swap3A_177 {strides = array<i32>} : memref<128x128xf32, #tpu.memory_space<vmem>>, vector<1x16xf32>,
        %get3A_178 = arith.index_cast %scan3A_167 : i32 to index
        %get3A_179 = arith.constant 16 : index
        %get3A_180 = tpu.vector_load %arg10[%get3A_178, %get3A_179] {strides = array<i32>} : memref<128x128xf32, #tpu.memory_space<vmem>>, vector<1x16xf32>,
        %get3A_181 = vector.shape_cast %get3A_180 : vector<1x16xf32> to vector<16xf32>
        %mul3A_182 = arith.constant 11.3137083 : f32
        %mul3A_183 = vector.broadcast %mul3A_182 : f32 to vector<16xf32>
        %mul3A_184 = arith.mulf %get3A_181, %mul3A_183 : vector<16xf32>
        %swap3A_185 = arith.index_cast %scan3A_167 : i32 to index
        %swap3A_186 = arith.constant 16 : index
        %swap3A_187 = tpu.vector_load %arg11[%swap3A_185, %swap3A_186] {strides = array<i32>} : memref<128x128xf32, #tpu.memory_space<vmem>>, vector<1x16xf32>,
        %swap3A_188 = vector.shape_cast %swap3A_187 : vector<1x16xf32> to vector<16xf32>
        %swap3A_189 = vector.shape_cast %mul3A_184 : vector<16xf32> to vector<1x16xf32>
        tpu.vector_store %arg11[%swap3A_185, %swap3A_186], %swap3A_189 {strides = array<i32>} : memref<128x128xf32, #tpu.memory_space<vmem>>, vector<1x16xf32>,
        %get3A_190 = arith.index_cast %scan3A_167 : i32 to index
        %get3A_191 = arith.constant 32 : index
        %get3A_192 = tpu.vector_load %arg10[%get3A_190, %get3A_191] {strides = array<i32>} : memref<128x128xf32, #tpu.memory_space<vmem>>, vector<1x16xf32>,
        %get3A_193 = vector.shape_cast %get3A_192 : vector<1x16xf32> to vector<16xf32>
        %mul3A_194 = arith.constant 11.3137083 : f32
        %mul3A_195 = vector.broadcast %mul3A_194 : f32 to vector<16xf32>
        %mul3A_196 = arith.mulf %get3A_193, %mul3A_195 : vector<16xf32>
        %swap3A_197 = arith.index_cast %scan3A_167 : i32 to index
        %swap3A_198 = arith.constant 32 : index
        %swap3A_199 = tpu.vector_load %arg11[%swap3A_197, %swap3A_198] {strides = array<i32>} : memref<128x128xf32, #tpu.memory_space<vmem>>, vector<1x16xf32>,
        %swap3A_200 = vector.shape_cast %swap3A_199 : vector<1x16xf32> to vector<16xf32>
        %swap3A_201 = vector.shape_cast %mul3A_196 : vector<16xf32> to vector<1x16xf32>
        tpu.vector_store %arg11[%swap3A_197, %swap3A_198], %swap3A_201 {strides = array<i32>} : memref<128x128xf32, #tpu.memory_space<vmem>>, vector<1x16xf32>,
        %get3A_202 = arith.index_cast %scan3A_167 : i32 to index
        %get3A_203 = arith.constant 48 : index
        %get3A_204 = tpu.vector_load %arg10[%get3A_202, %get3A_203] {strides = array<i32>} : memref<128x128xf32, #tpu.memory_space<vmem>>, vector<1x16xf32>,
        %get3A_205 = vector.shape_cast %get3A_204 : vector<1x16xf32> to vector<16xf32>
        %mul3A_206 = arith.constant 11.3137083 : f32
        %mul3A_207 = vector.broadcast %mul3A_206 : f32 to vector<16xf32>
        %mul3A_208 = arith.mulf %get3A_205, %mul3A_207 : vector<16xf32>
        %swap3A_209 = arith.index_cast %scan3A_167 : i32 to index
        %swap3A_210 = arith.constant 48 : index
        %swap3A_211 = tpu.vector_load %arg11[%swap3A_209, %swap3A_210] {strides = array<i32>} : memref<128x128xf32, #tpu.memory_space<vmem>>, vector<1x16xf32>,
        %swap3A_212 = vector.shape_cast %swap3A_211 : vector<1x16xf32> to vector<16xf32>
        %swap3A_213 = vector.shape_cast %mul3A_208 : vector<16xf32> to vector<1x16xf32>
        tpu.vector_store %arg11[%swap3A_209, %swap3A_210], %swap3A_213 {strides = array<i32>} : memref<128x128xf32, #tpu.memory_space<vmem>>, vector<1x16xf32>,
        %get3A_214 = arith.index_cast %scan3A_167 : i32 to index
        %get3A_215 = arith.constant 64 : index
        %get3A_216 = tpu.vector_load %arg10[%get3A_214, %get3A_215] {strides = array<i32>} : memref<128x128xf32, #tpu.memory_space<vmem>>, vector<1x16xf32>,
        %get3A_217 = vector.shape_cast %get3A_216 : vector<1x16xf32> to vector<16xf32>
        %mul3A_218 = arith.constant 11.3137083 : f32
        %mul3A_219 = vector.broadcast %mul3A_218 : f32 to vector<16xf32>
        %mul3A_220 = arith.mulf %get3A_217, %mul3A_219 : vector<16xf32>
        %swap3A_221 = arith.index_cast %scan3A_167 : i32 to index
        %swap3A_222 = arith.constant 64 : index
        %swap3A_223 = tpu.vector_load %arg11[%swap3A_221, %swap3A_222] {strides = array<i32>} : memref<128x128xf32, #tpu.memory_space<vmem>>, vector<1x16xf32>,
        %swap3A_224 = vector.shape_cast %swap3A_223 : vector<1x16xf32> to vector<16xf32>
        %swap3A_225 = vector.shape_cast %mul3A_220 : vector<16xf32> to vector<1x16xf32>
        tpu.vector_store %arg11[%swap3A_221, %swap3A_222], %swap3A_225 {strides = array<i32>} : memref<128x128xf32, #tpu.memory_space<vmem>>, vector<1x16xf32>,
        %get3A_226 = arith.index_cast %scan3A_167 : i32 to index
        %get3A_227 = arith.constant 80 : index
        %get3A_228 = tpu.vector_load %arg10[%get3A_226, %get3A_227] {strides = array<i32>} : memref<128x128xf32, #tpu.memory_space<vmem>>, vector<1x16xf32>,
        %get3A_229 = vector.shape_cast %get3A_228 : vector<1x16xf32> to vector<16xf32>
        %mul3A_230 = arith.constant 11.3137083 : f32
        %mul3A_231 = vector.broadcast %mul3A_230 : f32 to vector<16xf32>
        %mul3A_232 = arith.mulf %get3A_229, %mul3A_231 : vector<16xf32>
        %swap3A_233 = arith.index_cast %scan3A_167 : i32 to index
        %swap3A_234 = arith.constant 80 : index
        %swap3A_235 = tpu.vector_load %arg11[%swap3A_233, %swap3A_234] {strides = array<i32>} : memref<128x128xf32, #tpu.memory_space<vmem>>, vector<1x16xf32>,
        %swap3A_236 = vector.shape_cast %swap3A_235 : vector<1x16xf32> to vector<16xf32>
        %swap3A_237 = vector.shape_cast %mul3A_232 : vector<16xf32> to vector<1x16xf32>
        tpu.vector_store %arg11[%swap3A_233, %swap3A_234], %swap3A_237 {strides = array<i32>} : memref<128x128xf32, #tpu.memory_space<vmem>>, vector<1x16xf32>,
        %get3A_238 = arith.index_cast %scan3A_167 : i32 to index
        %get3A_239 = arith.constant 96 : index
        %get3A_240 = tpu.vector_load %arg10[%get3A_238, %get3A_239] {strides = array<i32>} : memref<128x128xf32, #tpu.memory_space<vmem>>, vector<1x16xf32>,
        %get3A_241 = vector.shape_cast %get3A_240 : vector<1x16xf32> to vector<16xf32>
        %mul3A_242 = arith.constant 11.3137083 : f32
        %mul3A_243 = vector.broadcast %mul3A_242 : f32 to vector<16xf32>
        %mul3A_244 = arith.mulf %get3A_241, %mul3A_243 : vector<16xf32>
        %swap3A_245 = arith.index_cast %scan3A_167 : i32 to index
        %swap3A_246 = arith.constant 96 : index
        %swap3A_247 = tpu.vector_load %arg11[%swap3A_245, %swap3A_246] {strides = array<i32>} : memref<128x128xf32, #tpu.memory_space<vmem>>, vector<1x16xf32>,
        %swap3A_248 = vector.shape_cast %swap3A_247 : vector<1x16xf32> to vector<16xf32>
        %swap3A_249 = vector.shape_cast %mul3A_244 : vector<16xf32> to vector<1x16xf32>
        tpu.vector_store %arg11[%swap3A_245, %swap3A_246], %swap3A_249 {strides = array<i32>} : memref<128x128xf32, #tpu.memory_space<vmem>>, vector<1x16xf32>,
        %get3A_250 = arith.index_cast %scan3A_167 : i32 to index
        %get3A_251 = arith.constant 112 : index
        %get3A_252 = tpu.vector_load %arg10[%get3A_250, %get3A_251] {strides = array<i32>} : memref<128x128xf32, #tpu.memory_space<vmem>>, vector<1x16xf32>,
        %get3A_253 = vector.shape_cast %get3A_252 : vector<1x16xf32> to vector<16xf32>
        %mul3A_254 = arith.constant 11.3137083 : f32
        %mul3A_255 = vector.broadcast %mul3A_254 : f32 to vector<16xf32>
        %mul3A_256 = arith.mulf %get3A_253, %mul3A_255 : vector<16xf32>
        %swap3A_257 = arith.index_cast %scan3A_167 : i32 to index
        %swap3A_258 = arith.constant 112 : index
        %swap3A_259 = tpu.vector_load %arg11[%swap3A_257, %swap3A_258] {strides = array<i32>} : memref<128x128xf32, #tpu.memory_space<vmem>>, vector<1x16xf32>,
        %swap3A_260 = vector.shape_cast %swap3A_259 : vector<1x16xf32> to vector<16xf32>
        %swap3A_261 = vector.shape_cast %mul3A_256 : vector<16xf32> to vector<1x16xf32>
        tpu.vector_store %arg11[%swap3A_257, %swap3A_258], %swap3A_261 {strides = array<i32>} : memref<128x128xf32, #tpu.memory_space<vmem>>, vector<1x16xf32>,
      }
      %scan3A_159 = arith.constant 128 : i32
      %add3A_160 = arith.constant 5 : i32
      %add3A_161 = arith.addi %add3A_147, %add3A_160 : i32
      %lt3A_162 = arith.constant 50 : i32
      %lt3A_163 = arith.cmpi slt, %add3A_161, %lt3A_162 : i32
      %convert_element_type3A_164 = arith.extui %lt3A_163 : i1 to i32
      %cond3A_165 = arith.constant 0 : i32
      %cond3A_166 = arith.cmpi ne, %convert_element_type3A_164, %cond3A_165 : i32
      scf.if %cond3A_166 {
        %add3A_167 = arith.constant 5 : i32
        %add3A_168 = arith.addi %add3A_147, %add3A_167 : i32
        %dma_start3A_169 = arith.constant 0 : i32
        %dma_start3A_170 = tpu.memref_slice %arg5[%add3A_168, %dma_start3A_169] : memref<50x128xi32, #tpu.memory_space<vmem>> -> memref<1x128xi32, #tpu.memory_space<vmem>>
        %dma_start3A_171 = tpu.memref_squeeze %dma_start3A_170 : memref<1x128xi32, #tpu.memory_space<vmem>> -> memref<128xi32, #tpu.memory_space<vmem>>
        %dma_start3A_172 = arith.constant 0 : i32
        %dma_start3A_173 = arith.constant 0 : i32
        %dma_start3A_174 = tpu.memref_slice %arg3[%dma_start3A_172, %dma_start3A_173] : memref<1000000x128xf32, #tpu.memory_space<hbm>> -> memref<1000000x128xf32, #tpu.memory_space<hbm>>
        tpu.enqueue_indirect_dma source(%dma_start3A_174 : memref<1000000x128xf32, #tpu.memory_space<hbm>>) target(%arg10 : memref<128x128xf32, #tpu.memory_space<vmem>>) offsets(%dma_start3A_171 : memref<128xi32, #tpu.memory_space<vmem>>) semaphore(%arg17 : memref<!tpu.dma_semaphore, #tpu.memory_space<semaphore_mem>>)
      } else {
      }
    }
    %scan3A_41 = arith.constant 10 : i32
    %add3A_42 = arith.constant 0 : i32
    %add3A_43 = arith.addi %mul3A_2, %add3A_42 : i32
    %multiple_of3A = tpu.assume_multiple %add3A_43, 8 : i32
    %dma_start3A_44 = arith.constant 0 : i32
    %dma_start3A_45 = tpu.memref_slice %arg4[%multiple_of3A, %dma_start3A_44] : memref<204800x128xf32, #tpu.memory_space<hbm>> -> memref<128x128xf32, #tpu.memory_space<hbm>>
    %dma_start3A_46 = arith.constant 0 : i32
    %dma_start3A_47 = tpu.memref_slice %arg4[%multiple_of3A, %dma_start3A_46] : memref<204800x128xf32, #tpu.memory_space<hbm>> -> memref<128x128xf32, #tpu.memory_space<hbm>>
    tpu.enqueue_dma source(%arg11 : memref<128x128xf32, #tpu.memory_space<vmem>>) target(%dma_start3A_47 : memref<128x128xf32, #tpu.memory_space<hbm>>) target_semaphore(%arg18 : memref<!tpu.dma_semaphore, #tpu.memory_space<semaphore_mem>>)
    %add3A_48 = arith.constant 0 : i32
    %add3A_49 = arith.addi %mul3A_2, %add3A_48 : i32
    %multiple_of3A_50 = tpu.assume_multiple %add3A_49, 8 : i32
    %dma_wait3A = arith.constant 0 : i32
    %dma_wait3A_51 = tpu.memref_slice %arg4[%multiple_of3A_50, %dma_wait3A] : memref<204800x128xf32, #tpu.memory_space<hbm>> -> memref<128x128xf32, #tpu.memory_space<hbm>>
    %dma_wait3A_52 = arith.constant 0 : i32
    %dma_wait3A_53 = tpu.memref_slice %arg4[%multiple_of3A_50, %dma_wait3A_52] : memref<204800x128xf32, #tpu.memory_space<hbm>> -> memref<128x128xf32, #tpu.memory_space<hbm>>
    tpu.wait_dma2 semaphore(%arg18 : memref<!tpu.dma_semaphore, #tpu.memory_space<semaphore_mem>>) src(%arg11 : memref<128x128xf32, #tpu.memory_space<vmem>>) dst(%dma_wait3A_53 : memref<128x128xf32, #tpu.memory_space<hbm>>)
    return
  }
}

</mosaic_0001>

<sc_bundles>
// kernel: kernel.3.cloned.1.call-start
scs
__scs_entry_jumppad:
0x0: {  	(pc) =	sbr.rel $0x88, $3  }
0x1: {  	(tag) =	ssettag $0x0;
	lr =	simm.s32 $0x1  }
0x2: {  	[smem:$0x3F9F] =	sst lr;
	_ =	strace $0xD0000000  }
0x3: {  	_ = 	snop  }
0x4: {  	_ = 	snop  }
0x5: {  	_ = 	snop  }
0x6: {  	_ = 	snop  }
0x7: {  	_ = 	snop  }
__scs_overlays_trampoline_lowered:
0x8: {  	[smem:$0x3FAE] =	sst s0  }
0x9: {  	[smem:$0x3FAF] =	sst s1  }
0xa: {  	[smem:$0x3FB0] =	sst s2  }
0xb: {  	[smem:$0x3FB1] =	sst s3  }
0xc: {  	[smem:$0x3FB2] =	sst s4  }
0xd: {  	[smem:$0x3FB3] =	sst s5  }
0xe: {  	[smem:$0x3FB4] =	sst s6  }
0xf: {  	[smem:$0x3FB5] =	sst s7  }
0x10: {  	[smem:$0x3FB6] =	sst s8  }
0x11: {  	[smem:$0x3FB7] =	sst s9;
	s0 =	simm.s32 @!p0 $0x0  }
0x12: {  	s1 =	sld [smem:$0x3F9D];
	s0 =	simm.s32 @p0 $0x1  }
0x13: {  	[smem:$0x3FB8] =	sst s0;
	s0 =	simm.s32 @!p1 $0x0  }
0x14: {  	s2 =	sld [smem:$0x3F9C];
	s0 =	simm.s32 @p1 $0x1  }
0x15: {  	[smem:$0x3FB9] =	sst s0;
	s0 =	simm.s32 @!p2 $0x0  }
0x16: {  	s3 =	sld [smem:$0x3FDB];
	s0 =	simm.s32 @p2 $0x1  }
0x17: {  	s4 =	simm.s32 $0x1BF5;
	[smem:$0x3FBB] =	sst s0  }
0x18: {  	s0 =	sld [smem:$0x3F9E];
	_ =	swait.ge [sflag:s4], $0x0  }
0x19: {  	s7 =	sld [smem:$0x3F9F]  }
0x1a: {  	s8 =	sadd.s32 $0xFFFFE003, lr  }
0x1b: {  	s9 =	sadd.s32 $0xFFFFFEF7, lr;
	s5 =	simm.s32 $0xFFFFFFFF;
	p2 =	slt.u32 s8, $0xFFFFF086  }
0x1c: {  	p1 =	slt.u32 s9, $0xF7A;
	s5 =	simm.s32 @!p2 $0x0  }
0x1d: {  	s5 =	simm.s32 @p1 $0x1;
	p0 =	seq.s32 s7, s2  }
0x1e: {  	s7 =	smul.u32 @!p0 $0xF7A, s2;
	p2 =	seq.s32 @!p0 s5, $0x0  }
0x1f: {  	s9 =	smul.u32 $0xF7A, s1;
	s8 =	simm.s32 @!p0 $0x1BF5;
	p2 =	por !p2, p0  }
0x20: {  	[sflag:s8] =	ssyncset.s32 @!p0 $0xFFFFF086;
	s6 =	sadd.s32 @!p0 s3, s7;
	s7 =	simm.s32 @!p0 $0x108  }
0x21: {  	s3 =	sadd.s32 s3, s9;
	s6 =	sadd.s32 @!p0 $0x88, s6;
	s7 =	simm.s32 @p2 $0x1082  }
0x22: {  	[simem:s7], [sflag:s8] =	dma.local @!p0 [hbm:s6], $0xF7A  }
0x23: {  	s9 =	sor.u32 $0xD0000000, s2;
	s6 =	simm.s32 $0x108;
	_ =	swait.ge @!p0 [sflag:s8], $0x0  }
0x24: {  	s3 =	sadd.s32 $0x88, s3;
	s6 =	simm.s32 @!p1 $0x1082;
	[sflag:s4] =	ssyncset.s32 $0xFFFFF086  }
0x25: {  	[simem:s6], [sflag:s4] =	dma.local [hbm:s3], $0xF7A  }
0x26: {  	[smem:$0x3F9F] =	sst s1;
	(tag) =	ssettag s2;
	_ =	strace s9  }
0x27: {  	s1 =	sld [smem:$0x3FAF]  }
0x28: {  	s2 =	sld [smem:$0x3FB0]  }
0x29: {  	s4 =	sld [smem:$0x3FB2]  }
0x2a: {  	p0 =	seq.s32 s5, $0x0;
	s5 =	sld [smem:$0x3FB3]  }
0x2b: {  	s6 =	sld [smem:$0x3FB4]  }
0x2c: {  	s7 =	sld [smem:$0x3FB5]  }
0x2d: {  	s3 =	simm.s32 $0x108;
	s8 =	sld [smem:$0x3FB6]  }
0x2e: {  	s3 =	simm.s32 @!p0 $0x1082;
	s9 =	sld [smem:$0x3FB7]  }
0x2f: {  	lr =	sadd.s32 s0, s3;
	s0 =	sld [smem:$0x3FAE]  }
0x30: {  	s3 =	sld [smem:$0x3FB1]  }
0x31: {  	[smem:$0x3FBA] =	sst s10  }
0x32: {  	s10 =	sld [smem:$0x3FB8];
	_ =	sdelay $0x3  }
0x33: {  	p0 =	seq.s32 s10, $0x1;
	s10 =	sld [smem:$0x3FBA];
	_ =	sdelay $0x3  }
0x34: {  	[smem:$0x3FBA] =	sst s10  }
0x35: {  	s10 =	sld [smem:$0x3FB9];
	_ =	sdelay $0x3  }
0x36: {  	p1 =	seq.s32 s10, $0x1;
	s10 =	sld [smem:$0x3FBA];
	_ =	sdelay $0x3  }
0x37: {  	[smem:$0x3FBA] =	sst s10  }
0x38: {  	s10 =	sld [smem:$0x3FBB]  }
0x39: {  	_ = 	snop;
	(pc) =	sbr.ind lr, $3  }
0x3a: {  	_ = 	snop  }
0x3b: {  	_ = 	snop  }
0x3c: {  	p2 =	seq.s32 s10, $0x1;
	s10 =	sld [smem:$0x3FBA]  }
0x3d: {  	_ =	shalt  }
0x3e: {  	_ =	shalt  }
0x3f: {  	_ =	shalt  }
0x40: {  	_ =	shalt  }
0x41: {  	_ =	shalt  }
0x42: {  	_ =	shalt  }
0x43: {  	_ =	shalt  }
0x44: {  	_ =	shalt  }
0x45: {  	_ =	shalt  }
0x46: {  	_ =	shalt  }
0x47: {  	_ =	shalt  }
0x48: {  	_ =	shalt  }
0x49: {  	_ =	shalt  }
0x4a: {  	_ =	shalt  }
0x4b: {  	_ =	shalt  }
0x4c: {  	_ =	shalt  }
0x4d: {  	_ =	shalt  }
0x4e: {  	_ =	shalt  }
0x4f: {  	_ =	shalt  }
0x50: {  	_ =	shalt  }
0x51: {  	_ =	shalt  }
0x52: {  	_ =	shalt  }
0x53: {  	_ =	shalt  }
0x54: {  	_ =	shalt  }
0x55: {  	_ =	shalt  }
0x56: {  	_ =	shalt  }
0x57: {  	_ =	shalt  }
0x58: {  	_ =	shalt  }
0x59: {  	_ =	shalt  }
0x5a: {  	_ =	shalt  }
0x5b: {  	_ =	shalt  }
0x5c: {  	_ =	shalt  }
0x5d: {  	_ =	shalt  }
0x5e: {  	_ =	shalt  }
0x5f: {  	_ =	shalt  }
0x60: {  	_ =	shalt  }
0x61: {  	_ =	shalt  }
0x62: {  	_ =	shalt  }
0x63: {  	_ =	shalt  }
0x64: {  	_ =	shalt  }
0x65: {  	_ =	shalt  }
0x66: {  	_ =	shalt  }
0x67: {  	_ =	shalt  }
0x68: {  	_ =	shalt  }
0x69: {  	_ =	shalt  }
0x6a: {  	_ =	shalt  }
0x6b: {  	_ =	shalt  }
0x6c: {  	_ =	shalt  }
0x6d: {  	_ =	shalt  }
0x6e: {  	_ =	shalt  }
0x6f: {  	_ =	shalt  }
0x70: {  	_ =	shalt  }
0x71: {  	_ =	shalt  }
0x72: {  	_ =	shalt  }
0x73: {  	_ =	shalt  }
0x74: {  	_ =	shalt  }
0x75: {  	_ =	shalt  }
0x76: {  	_ =	shalt  }
0x77: {  	_ =	shalt  }
0x78: {  	_ =	shalt  }
0x79: {  	_ =	shalt  }
0x7a: {  	_ =	shalt  }
0x7b: {  	_ =	shalt  }
0x7c: {  	_ =	shalt  }
0x7d: {  	_ =	shalt  }
0x7e: {  	_ =	shalt  }
0x7f: {  	_ =	shalt  }
0x80: {  	_ =	shalt  }
0x81: {  	_ =	shalt  }
0x82: {  	_ =	shalt  }
0x83: {  	_ =	shalt  }
0x84: {  	_ =	shalt  }
0x85: {  	_ =	shalt  }
0x86: {  	_ =	shalt  }
0x87: {  	_ =	shalt  }
.Lfunc_end0:
.L_simem_size_0:
called_computation_lowered:
.L_overlay_start_0:
0x88: {  	s2 =	sld [smem:$0x3FD9]  }
0x89: {  	s3 =	sld [smem:$0x3FFE];
	_ =	sdelay $0x1  }
0x8a: {  	s1 =	srdreg.scid  }
0x8b: {  	s0 =	sand.u32 $0x1, s1  }
0x8c: {  	s17 =	sshll.u32 s0, $0xA;
	s2 =	sadd.s32 s3, s2  }
0x8d: {  	s2 =	sadd.s32 s2, s17  }
0x8e: {  	[smem:$0x3FC6] =	sst s2  }
0x8f: {  	_ = 	snop  }
0x90: {  	s2 =	sld [smem:$0x3FC8]  }
0x91: {  	s18 =	sld [smem:$0x3FD0];
	(tm) =	ssettm $0x1  }
0x92: {  	s4 =	sld [smem:$0x3FFB];
	_ =	sdelay $0x3  }
0x93: {  	_ =	strace s4  }
0x94: {  	s4 =	sld [smem:$0x3FFC];
	_ =	sdelay $0x3  }
0x95: {  	_ =	strace s4  }
0x96: {  	s4 =	sld [smem:$0x3FFD];
	_ =	sdelay $0x3  }
0x97: {  	_ =	strace s4  }
0x98: {  	_ =	strace $0x8FFFFFFF  }
0x99: {  	s19 =	sld [smem:$0x3FDB];
	_ =	sdelay $0x1  }
0x9a: {  	s5 =	simm.s32 $_scs_section_size  }
0x9b: {  	s6 =	simm.s32 $_size__tile_overlayer_lowered;
	s7 =	simm.s32 $_tile_overlayer_lowered  }
0x9c: {  	s22 =	simm.s32 $0x1BFF;
	s21 =	sshll.u32 s7, $0x1;
	s4 =	sadd.s32 s5, s19  }
0x9d: {  	s8 =	simm.s32 $0x0;
	s20 =	sshll.u32 s6, $0x1;
	s6 =	sadd.s32 s21, s4  }
0x9e: {  	[timem:s8], [sflag:s22] =	dma.local [hbm:s6], s20  }
0x9f: {  	_ =	swait.ge [sflag:s22], s20  }
0xa0: {  	s5 =	ssub.s32 $0x0, s20;
	[sflag:s22] =	ssyncset.done $0x0  }
0xa1: {  	[sflag:s22] =	ssyncadd.s32 s5;
	_ =	sdelay $0x1  }
0xa2: {  	s23 =	simm.s32 $0x1B8B  }
0xa3: {  	_ =	swait.ge [sflag:s23], $0x1  }
0xa4: {  	[sflag:s23] =	ssyncset.done $0x0  }
0xa5: {  	s25 =	simm.s32 $0x1B8E;
	s24 =	sld [smem:$0x3FFE];
	[sflag:s23] =	ssyncadd.s32 $0xFFFFFFFF  }
0xa6: {  	s26 =	simm.s32 $execute0_lowered;
	[smem:$0x3FD2] =	sst s25  }
0xa7: {  	s6 =	sshll.u32 s26, $0x1;
	_ =	strace $0x80000046;
	[dreg:$0x1] =	wrdreg $0xFFFFFFFF  }
0xa8: {  	s28 =	simm.s32 $_size_execute0_lowered;
	s4 =	sadd.s32 s4, s6;
	[dreg:$0x0] =	wrdreg $0x0  }
0xa9: {  	s6 =	sshll.u32 s28, $0x1;
	[dreg:$0x2] =	wrdreg s4  }
0xaa: {  	[dreg:$0x3] =	wrdreg s6  }
0xab: {  	[dreg:$0x4] =	wrdreg $0xC0  }
0xac: {  	_ =	task [dreg:s8], $0x5FFFF  }
0xad: {  	[dreg:$0x1] =	wrdreg $0xFFFFFFFF  }
0xae: {  	[dreg:$0x0] =	wrdreg $0x60  }
0xaf: {  	[dreg:$0x2] =	wrdreg s24  }
0xb0: {  	[dreg:$0x3] =	wrdreg s2  }
0xb1: {  	[dreg:$0x4] =	wrdreg s18  }
0xb2: {  	[dreg:$0x5] =	wrdreg $0x9  }
0xb3: {  	_ =	task.clear_ibuf [dreg:s8], $0x6FFFF;
	_ =	strace $0x90000046  }
0xb4: {  	s29 =	simm.s32 $0x9;
	_ =	strace $0x80000048  }
0xb5: {  	_ =	swait.ge [sflag:s29], $0x1  }
0xb6: {  	[sflag:s29] =	ssyncadd.s32 $0xFFFFFFFF  }
0xb7: {  	_ =	strace $0x90000048  }
0xb8: {  	_ =	sfence  }
0xb9: {  	s30 =	sld [smem:$0x0];
	_ =	sdelay $0x2  }
0xba: {  	s31 =	sshll.u32 s1, $0xD;
	s1 =	sshrl.u32 s1, $0x2  }
0xbb: {  	s3 =	sand.u32 $0x4000, s31;
	s1 =	sadd.s32 s1, s30  }
0xbc: {  	s0 =	sor.u32 s3, s0;
	s1 =	sshll.u32 s1, $0x11  }
0xbd: {  	s0 =	sor.u32 s1, s0  }
0xbe: {  	s0 =	sadd.s32 $0x8F2B, s0  }
0xbf: {  	[sflag:s0] =	ssyncadd.remote.s32 $0x1  }
0xc0: {  	_ =	sfence.sel $0xFFFF  }
0xc1: {  	[dreg:$0x0] =	wrdreg $0xFFFFFFFF;
	(pc) =	sbr.abs _section_cstart, $3  }
0xc2: {  	[dreg:$0x1] =	wrdreg $0xFFFFFFFF  }
0xc3: {  	_ =	task.clear_ibuf [dreg:s8], $0x2FFFF;
	_ =	strace $0x9FFFFFFF  }
0xc4: {  	(tm) =	ssettm $0x7FFFFFFF  }
0xc5: {  	_ =	shalt  }
tec
execute0_lowered:
.L_overlay_start_1:
0x0: {  	(tag) =	ssettag $0x1  }
0x1: {  	s4 =	rddreg [dreg:$0x0]  }
0x2: {  	s2 =	rddreg [dreg:$0x1]  }
0x3: {  	s1 =	srdreg.scid;
	s0 =	stileid.u32  }
0x4: {  	s5 =	rddreg [dreg:$0x2];
	s10 =	simm.s32 $0x5C00;
	s11 =	simm.s32 $0x100  }
0x5: {  	s12 =	simm.s32 $0x9C00;
	s13 =	simm.s32 $0x180;
	s14 =	simm.s32 $0xDC00  }
0x6: {  	s15 =	simm.s32 $0x200;
	s16 =	simm.s32 $0x11C00;
	s17 =	simm.s32 $0x1  }
0x7: {  	s18 =	simm.s32 $0x2;
	s19 =	simm.s32 $0x3;
	s20 =	simm.s32 $0x4  }
0x8: {  	s21 =	simm.s32 $0x5;
	s6 =	sand.u32 $0x1, s1;
	s3 =	sshll.u32 s0, $0x1  }
0x9: {  	s22 =	simm.s32 $0x15C00;
	s23 =	simm.s32 $0x6;
	s7 =	sor.u32 s6, s3  }
0xa: {  	s24 =	simm.s32 $0x0;
	s1 =	rddreg [dreg:$0x3];
	s8 =	smul.u32 $0x380, s7  }
.Ltmp0:
0xb: {  	s3 =	simm.s32 $0x0;
	s6 =	ssub.s32 $0x2, s6;
	(pc) =	sbr.rel .LBB2_1-.Ltmp0, $4  }
0xc: {  	[smem:$0x7FF] =	sst s3;
	s9 =	sshrl.u32 s6, $0x1;
	s7 =	smul.u32 $0x19000, s7  }
0xd: {  	_ =	strace $0x80000047;
	s6 =	ssub.s32 s6, s9;
	s9 =	simm.s32 $0x1C00  }
0xe: {  	s4 =	sadd.s32 s8, s4;
	s5 =	sadd.s32 s5, s7;
	s6 =	smax.u32 s6, $0x1  }
0xf: {  	s7 =	simm.s32 $0x7;
	s8 =	simm.s32 $0x80;
	s4 =	sadd.s32 $0x400, s4  }
.LBB2_14:
0x10: {  	s24 =	sadd.s32 $0x1, s24  }
0x11: {  	p0 =	sne.s32 s24, s6  }
.Ltmp1:
0x12: {  	_ = 	snop;
	(pc) =	sbr.rel @!p0 .LBB2_15-.Ltmp1, $4  }
0x13: {  	[hbm4b:s5+s3] =	stream.linear.scatter [tilespmem:s22], [sflag:$0x6], $0x4000, $0x38;
	[tilespmem:$0x1DC00] =	vst v63  }
0x14: {  	_ =	swait.ge [sflag:s23], $0x4000  }
0x15: {  	[sflag:s23] =	ssyncset.done $0x0  }
0x16: {  	[sflag:s23] =	ssyncadd.s32 $0xFFFFC000  }
.LBB2_1:
0x17: {  	[tilespmem:s3], [sflag:$0x7] =	stream.linear.gather [hbm4b:s4+s3], $0x1900, $0x38;
	[tilespmem:$0x1DC00] =	vst v63  }
0x18: {  	_ =	swait.ge [sflag:s7], $0x1900  }
0x19: {  	[sflag:s7] =	ssyncset.done $0x0  }
0x1a: {  	[sflag:s7] =	ssyncadd.s32 $0xFFFFE700  }
0x1b: {  	[tilespmem:s9], [sflag:$0x1] =	stream.indirect.gather [hbm4b:s2+s8], $0x80, s3, s8, $0xb8;
	[tilespmem:$0x1DC00] =	vst v63  }
0x1c: {  	_ = 	snop  }
0x1d: {  	[tilespmem:s10], [sflag:$0x2] =	stream.indirect.gather [hbm4b:s2+s8], $0x80, s8, s8, $0xb8;
	[tilespmem:$0x1DC00] =	vst v63  }
0x1e: {  	_ = 	snop  }
0x1f: {  	[tilespmem:s12], [sflag:$0x3] =	stream.indirect.gather [hbm4b:s2+s8], $0x80, s11, s8, $0xb8;
	[tilespmem:$0x1DC00] =	vst v63  }
0x20: {  	_ = 	snop  }
0x21: {  	[tilespmem:s14], [sflag:$0x4] =	stream.indirect.gather [hbm4b:s2+s8], $0x80, s13, s8, $0xb8;
	[tilespmem:$0x1DC00] =	vst v63  }
0x22: {  	s25 =	simm.s32 $0x0  }
0x23: {  	[tilespmem:s16], [sflag:$0x5] =	stream.indirect.gather [hbm4b:s2+s8], $0x80, s15, s8, $0xb8;
	[tilespmem:$0x1DC00] =	vst v63  }
.LBB2_2:
0x24: {  	_ =	swait.ge [sflag:s17], $0x4000  }
0x25: {  	[sflag:s17] =	ssyncset.done $0x0  }
0x26: {  	s26 =	simm.s32 $0x0;
	[sflag:s17] =	ssyncadd.s32 $0xFFFFC000  }
0x27: {  	v1 =	vld [tilespmem:s26+$0x1C70]  }
0x28: {  	v5 =	vld [tilespmem:s26+$0x1C00]  }
0x29: {  	v6 =	vld [tilespmem:s26+$0x1C10]  }
0x2a: {  	v4 =	vld [tilespmem:s26+$0x1C20]  }
0x2b: {  	v3 =	vld [tilespmem:s26+$0x1C30]  }
0x2c: {  	v0 =	vld [tilespmem:s26+$0x1C40];
	v7 =	vmul.f32 $1.131370830e+01, v1  }
0x2d: {  	v1 =	vld [tilespmem:s26+$0x1C50];
	v5 =	vmul.f32 $1.131370830e+01, v5  }
0x2e: {  	s28 =	simm.s32 $0x80;
	s29 =	simm.s32 $0x400;
	v2 =	vld [tilespmem:s26+$0x1C60];
	v6 =	vmul.f32 $1.131370830e+01, v6;
	[tilespmem:s26+$0x15C70] =	vst v7  }
.LBB2_3:
0x2f: {  	p0 =	sne.s32 s29, $0xFE00;
	v7 =	vld [tilespmem:s28+$0x1C70];
	[tilespmem:s26+$0x15C00] =	vst v5;
	v4 =	vmul.f32 $1.131370830e+01, v4  }
0x30: {  	v5 =	vld [tilespmem:s28+$0x1C00];
	[tilespmem:s26+$0x15C10] =	vst v6;
	v3 =	vmul.f32 $1.131370830e+01, v3  }
0x31: {  	v6 =	vld [tilespmem:s28+$0x1C10];
	[tilespmem:s26+$0x15C20] =	vst v4;
	v0 =	vmul.f32 $1.131370830e+01, v0  }
.Ltmp2:
0x32: {  	v4 =	vld [tilespmem:s28+$0x1C20];
	[tilespmem:s26+$0x15C30] =	vst v3;
	v1 =	vmul.f32 $1.131370830e+01, v1;
	(pc) =	sbr.rel @p0 .LBB2_3-.Ltmp2, $4  }
0x33: {  	v3 =	vld [tilespmem:s28+$0x1C30];
	[tilespmem:s26+$0x15C40] =	vst v0;
	v2 =	vmul.f32 $1.131370830e+01, v2  }
0x34: {  	v0 =	vld [tilespmem:s28+$0x1C40];
	v7 =	vmul.f32 $1.131370830e+01, v7;
	[tilespmem:s26+$0x15C50] =	vst v1  }
0x35: {  	v5 =	vmul.f32 $1.131370830e+01, v5;
	v1 =	vld [tilespmem:s28+$0x1C50];
	[tilespmem:s26+$0x15C60] =	vst v2;
	s26 =	smov.u32 s28  }
0x36: {  	s28 =	sshra.s32 s29, $0x2;
	s29 =	sadd.s32 $0x200, s29;
	v6 =	vmul.f32 $1.131370830e+01, v6;
	v2 =	vld [tilespmem:s26+$0x1C60];
	[tilespmem:s26+$0x15C70] =	vst v7  }
0x37: {  	v7 =	vld [tilespmem:s28+$0x1C70];
	[tilespmem:s26+$0x15C00] =	vst v5;
	v4 =	vmul.f32 $1.131370830e+01, v4  }
0x38: {  	v5 =	vld [tilespmem:s28+$0x1C00];
	[tilespmem:s26+$0x15C10] =	vst v6;
	v3 =	vmul.f32 $1.131370830e+01, v3  }
0x39: {  	v6 =	vld [tilespmem:s28+$0x1C10];
	[tilespmem:s26+$0x15C20] =	vst v4;
	v0 =	vmul.f32 $1.131370830e+01, v0  }
0x3a: {  	v4 =	vld [tilespmem:s28+$0x1C20];
	[tilespmem:s26+$0x15C30] =	vst v3;
	v1 =	vmul.f32 $1.131370830e+01, v1  }
0x3b: {  	v3 =	vld [tilespmem:s28+$0x1C30];
	[tilespmem:s26+$0x15C40] =	vst v0;
	v2 =	vmul.f32 $1.131370830e+01, v2  }
0x3c: {  	v0 =	vld [tilespmem:s28+$0x1C40];
	[tilespmem:s26+$0x15C50] =	vst v1;
	v7 =	vmul.f32 $1.131370830e+01, v7  }
0x3d: {  	v1 =	vld [tilespmem:s28+$0x1C50];
	[tilespmem:s26+$0x15C60] =	vst v2;
	v2 =	vmul.f32 $1.131370830e+01, v5  }
0x3e: {  	v5 =	vld [tilespmem:s28+$0x1C60];
	v6 =	vmul.f32 $1.131370830e+01, v6;
	[tilespmem:s28+$0x15C70] =	vst v7  }
0x3f: {  	[tilespmem:s28+$0x15C00] =	vst v2;
	v2 =	vmul.f32 $1.131370830e+01, v4  }
0x40: {  	[tilespmem:s28+$0x15C10] =	vst v6;
	v3 =	vmul.f32 $1.131370830e+01, v3  }
0x41: {  	p0 =	seq.s32 s25, $0x9;
	[tilespmem:s28+$0x15C20] =	vst v2;
	v0 =	vmul.f32 $1.131370830e+01, v0  }
0x42: {  	s26 =	smul.u32 @!p0 $0xA00, s25;
	[tilespmem:s28+$0x15C30] =	vst v3;
	v1 =	vmul.f32 $1.131370830e+01, v1  }
0x43: {  	[tilespmem:s28+$0x15C40] =	vst v0;
	v0 =	vmul.f32 $1.131370830e+01, v5  }
0x44: {  	s26 =	sshra.s32 @!p0 s26, $0x2;
	[tilespmem:s28+$0x15C50] =	vst v1  }
0x45: {  	s29 =	simm.s32 @!p0 $0x80;
	s30 =	simm.s32 @!p0 $0x1C00;
	[tilespmem:s28+$0x15C60] =	vst v0;
	s28 =	sadd.s32 @!p0 $0x280, s26  }
0x46: {  	[tilespmem:s30], [sflag:$0x1] =	stream.indirect.gather @!p0 [hbm4b:s2+s29], $0x80, s28, s29, $0xb8;
	[tilespmem:$0x1DC00] =	vst v63  }
0x47: {  	_ =	swait.ge [sflag:s18], $0x4000  }
0x48: {  	[sflag:s18] =	ssyncset.done $0x0  }
0x49: {  	s29 =	simm.s32 $0x0;
	[sflag:s18] =	ssyncadd.s32 $0xFFFFC000  }
0x4a: {  	v1 =	vld [tilespmem:s29+$0x5C70]  }
0x4b: {  	v5 =	vld [tilespmem:s29+$0x5C00]  }
0x4c: {  	v6 =	vld [tilespmem:s29+$0x5C10]  }
0x4d: {  	v4 =	vld [tilespmem:s29+$0x5C20]  }
0x4e: {  	v3 =	vld [tilespmem:s29+$0x5C30]  }
0x4f: {  	v0 =	vld [tilespmem:s29+$0x5C40];
	v7 =	vmul.f32 $1.131370830e+01, v1  }
0x50: {  	v1 =	vld [tilespmem:s29+$0x5C50];
	v5 =	vmul.f32 $1.131370830e+01, v5  }
0x51: {  	s28 =	simm.s32 $0x80;
	s30 =	simm.s32 $0x400;
	v2 =	vld [tilespmem:s29+$0x5C60];
	v6 =	vmul.f32 $1.131370830e+01, v6;
	[tilespmem:s29+$0x19C70] =	vst v7  }
.LBB2_5:
0x52: {  	p1 =	sne.s32 s30, $0xFE00;
	v7 =	vld [tilespmem:s28+$0x5C70];
	[tilespmem:s29+$0x19C00] =	vst v5;
	v4 =	vmul.f32 $1.131370830e+01, v4  }
0x53: {  	v5 =	vld [tilespmem:s28+$0x5C00];
	[tilespmem:s29+$0x19C10] =	vst v6;
	v3 =	vmul.f32 $1.131370830e+01, v3  }
0x54: {  	v6 =	vld [tilespmem:s28+$0x5C10];
	[tilespmem:s29+$0x19C20] =	vst v4;
	v0 =	vmul.f32 $1.131370830e+01, v0  }
.Ltmp3:
0x55: {  	v4 =	vld [tilespmem:s28+$0x5C20];
	[tilespmem:s29+$0x19C30] =	vst v3;
	v1 =	vmul.f32 $1.131370830e+01, v1;
	(pc) =	sbr.rel @p1 .LBB2_5-.Ltmp3, $4  }
0x56: {  	v3 =	vld [tilespmem:s28+$0x5C30];
	[tilespmem:s29+$0x19C40] =	vst v0;
	v2 =	vmul.f32 $1.131370830e+01, v2  }
0x57: {  	v0 =	vld [tilespmem:s28+$0x5C40];
	v7 =	vmul.f32 $1.131370830e+01, v7;
	[tilespmem:s29+$0x19C50] =	vst v1  }
0x58: {  	v5 =	vmul.f32 $1.131370830e+01, v5;
	v1 =	vld [tilespmem:s28+$0x5C50];
	[tilespmem:s29+$0x19C60] =	vst v2;
	s29 =	smov.u32 s28  }
0x59: {  	s28 =	sshra.s32 s30, $0x2;
	s30 =	sadd.s32 $0x200, s30;
	v6 =	vmul.f32 $1.131370830e+01, v6;
	v2 =	vld [tilespmem:s29+$0x5C60];
	[tilespmem:s29+$0x19C70] =	vst v7  }
0x5a: {  	v7 =	vld [tilespmem:s28+$0x5C70];
	[tilespmem:s29+$0x19C00] =	vst v5;
	v4 =	vmul.f32 $1.131370830e+01, v4  }
0x5b: {  	v5 =	vld [tilespmem:s28+$0x5C00];
	[tilespmem:s29+$0x19C10] =	vst v6;
	v3 =	vmul.f32 $1.131370830e+01, v3  }
0x5c: {  	v6 =	vld [tilespmem:s28+$0x5C10];
	[tilespmem:s29+$0x19C20] =	vst v4;
	v0 =	vmul.f32 $1.131370830e+01, v0  }
0x5d: {  	v4 =	vld [tilespmem:s28+$0x5C20];
	[tilespmem:s29+$0x19C30] =	vst v3;
	v1 =	vmul.f32 $1.131370830e+01, v1  }
0x5e: {  	v3 =	vld [tilespmem:s28+$0x5C30];
	[tilespmem:s29+$0x19C40] =	vst v0;
	v2 =	vmul.f32 $1.131370830e+01, v2  }
0x5f: {  	v0 =	vld [tilespmem:s28+$0x5C40];
	[tilespmem:s29+$0x19C50] =	vst v1;
	v7 =	vmul.f32 $1.131370830e+01, v7  }
0x60: {  	v1 =	vld [tilespmem:s28+$0x5C50];
	[tilespmem:s29+$0x19C60] =	vst v2;
	v2 =	vmul.f32 $1.131370830e+01, v5  }
0x61: {  	v5 =	vld [tilespmem:s28+$0x5C60];
	v6 =	vmul.f32 $1.131370830e+01, v6;
	[tilespmem:s28+$0x19C70] =	vst v7  }
0x62: {  	[tilespmem:s28+$0x19C00] =	vst v2;
	v2 =	vmul.f32 $1.131370830e+01, v4  }
0x63: {  	[tilespmem:s28+$0x19C10] =	vst v6;
	v3 =	vmul.f32 $1.131370830e+01, v3  }
0x64: {  	[tilespmem:s28+$0x19C20] =	vst v2;
	v0 =	vmul.f32 $1.131370830e+01, v0  }
0x65: {  	[tilespmem:s28+$0x19C30] =	vst v3;
	v1 =	vmul.f32 $1.131370830e+01, v1  }
0x66: {  	[tilespmem:s28+$0x19C40] =	vst v0;
	v0 =	vmul.f32 $1.131370830e+01, v5  }
0x67: {  	[tilespmem:s28+$0x19C50] =	vst v1  }
0x68: {  	s30 =	simm.s32 @!p0 $0x5C00;
	s29 =	simm.s32 @!p0 $0x80;
	[tilespmem:s28+$0x19C60] =	vst v0;
	s28 =	sadd.s32 @!p0 $0x300, s26  }
0x69: {  	[tilespmem:s30], [sflag:$0x2] =	stream.indirect.gather @!p0 [hbm4b:s2+s29], $0x80, s28, s29, $0xb8;
	[tilespmem:$0x1DC00] =	vst v63  }
0x6a: {  	_ =	swait.ge [sflag:s19], $0x4000  }
0x6b: {  	[sflag:s19] =	ssyncset.done $0x0  }
0x6c: {  	s29 =	simm.s32 $0x0;
	[sflag:s19] =	ssyncadd.s32 $0xFFFFC000  }
0x6d: {  	v1 =	vld [tilespmem:s29+$0x9C70]  }
0x6e: {  	v5 =	vld [tilespmem:s29+$0x9C00]  }
0x6f: {  	v6 =	vld [tilespmem:s29+$0x9C10]  }
0x70: {  	v4 =	vld [tilespmem:s29+$0x9C20]  }
0x71: {  	v3 =	vld [tilespmem:s29+$0x9C30]  }
0x72: {  	v0 =	vld [tilespmem:s29+$0x9C40];
	v7 =	vmul.f32 $1.131370830e+01, v1  }
0x73: {  	v1 =	vld [tilespmem:s29+$0x9C50];
	v5 =	vmul.f32 $1.131370830e+01, v5  }
0x74: {  	s28 =	simm.s32 $0x80;
	s30 =	simm.s32 $0x400;
	v2 =	vld [tilespmem:s29+$0x9C60];
	v6 =	vmul.f32 $1.131370830e+01, v6;
	[tilespmem:s29+$0x15C70] =	vst v7  }
.LBB2_7:
0x75: {  	p1 =	sne.s32 s30, $0xFE00;
	v7 =	vld [tilespmem:s28+$0x9C70];
	[tilespmem:s29+$0x15C00] =	vst v5;
	v4 =	vmul.f32 $1.131370830e+01, v4  }
0x76: {  	v5 =	vld [tilespmem:s28+$0x9C00];
	[tilespmem:s29+$0x15C10] =	vst v6;
	v3 =	vmul.f32 $1.131370830e+01, v3  }
0x77: {  	v6 =	vld [tilespmem:s28+$0x9C10];
	[tilespmem:s29+$0x15C20] =	vst v4;
	v0 =	vmul.f32 $1.131370830e+01, v0  }
.Ltmp4:
0x78: {  	v4 =	vld [tilespmem:s28+$0x9C20];
	[tilespmem:s29+$0x15C30] =	vst v3;
	v1 =	vmul.f32 $1.131370830e+01, v1;
	(pc) =	sbr.rel @p1 .LBB2_7-.Ltmp4, $4  }
0x79: {  	v3 =	vld [tilespmem:s28+$0x9C30];
	[tilespmem:s29+$0x15C40] =	vst v0;
	v2 =	vmul.f32 $1.131370830e+01, v2  }
0x7a: {  	v0 =	vld [tilespmem:s28+$0x9C40];
	v7 =	vmul.f32 $1.131370830e+01, v7;
	[tilespmem:s29+$0x15C50] =	vst v1  }
0x7b: {  	v5 =	vmul.f32 $1.131370830e+01, v5;
	v1 =	vld [tilespmem:s28+$0x9C50];
	[tilespmem:s29+$0x15C60] =	vst v2;
	s29 =	smov.u32 s28  }
0x7c: {  	s28 =	sshra.s32 s30, $0x2;
	s30 =	sadd.s32 $0x200, s30;
	v6 =	vmul.f32 $1.131370830e+01, v6;
	v2 =	vld [tilespmem:s29+$0x9C60];
	[tilespmem:s29+$0x15C70] =	vst v7  }
0x7d: {  	v7 =	vld [tilespmem:s28+$0x9C70];
	[tilespmem:s29+$0x15C00] =	vst v5;
	v4 =	vmul.f32 $1.131370830e+01, v4  }
0x7e: {  	v5 =	vld [tilespmem:s28+$0x9C00];
	[tilespmem:s29+$0x15C10] =	vst v6;
	v3 =	vmul.f32 $1.131370830e+01, v3  }
0x7f: {  	v6 =	vld [tilespmem:s28+$0x9C10];
	[tilespmem:s29+$0x15C20] =	vst v4;
	v0 =	vmul.f32 $1.131370830e+01, v0  }
0x80: {  	v4 =	vld [tilespmem:s28+$0x9C20];
	[tilespmem:s29+$0x15C30] =	vst v3;
	v1 =	vmul.f32 $1.131370830e+01, v1  }
0x81: {  	v3 =	vld [tilespmem:s28+$0x9C30];
	[tilespmem:s29+$0x15C40] =	vst v0;
	v2 =	vmul.f32 $1.131370830e+01, v2  }
0x82: {  	v0 =	vld [tilespmem:s28+$0x9C40];
	[tilespmem:s29+$0x15C50] =	vst v1;
	v7 =	vmul.f32 $1.131370830e+01, v7  }
0x83: {  	v1 =	vld [tilespmem:s28+$0x9C50];
	[tilespmem:s29+$0x15C60] =	vst v2;
	v2 =	vmul.f32 $1.131370830e+01, v5  }
0x84: {  	v5 =	vld [tilespmem:s28+$0x9C60];
	v6 =	vmul.f32 $1.131370830e+01, v6;
	[tilespmem:s28+$0x15C70] =	vst v7  }
0x85: {  	[tilespmem:s28+$0x15C00] =	vst v2;
	v2 =	vmul.f32 $1.131370830e+01, v4  }
0x86: {  	[tilespmem:s28+$0x15C10] =	vst v6;
	v3 =	vmul.f32 $1.131370830e+01, v3  }
0x87: {  	[tilespmem:s28+$0x15C20] =	vst v2;
	v0 =	vmul.f32 $1.131370830e+01, v0  }
0x88: {  	[tilespmem:s28+$0x15C30] =	vst v3;
	v1 =	vmul.f32 $1.131370830e+01, v1  }
0x89: {  	[tilespmem:s28+$0x15C40] =	vst v0;
	v0 =	vmul.f32 $1.131370830e+01, v5  }
0x8a: {  	[tilespmem:s28+$0x15C50] =	vst v1  }
0x8b: {  	s30 =	simm.s32 @!p0 $0x9C00;
	s29 =	simm.s32 @!p0 $0x80;
	[tilespmem:s28+$0x15C60] =	vst v0;
	s28 =	sadd.s32 @!p0 $0x380, s26  }
0x8c: {  	[tilespmem:s30], [sflag:$0x3] =	stream.indirect.gather @!p0 [hbm4b:s2+s29], $0x80, s28, s29, $0xb8;
	[tilespmem:$0x1DC00] =	vst v63  }
0x8d: {  	_ =	swait.ge [sflag:s20], $0x4000  }
0x8e: {  	[sflag:s20] =	ssyncset.done $0x0  }
0x8f: {  	s29 =	simm.s32 $0x0;
	[sflag:s20] =	ssyncadd.s32 $0xFFFFC000  }
0x90: {  	v1 =	vld [tilespmem:s29+$0xDC70]  }
0x91: {  	v5 =	vld [tilespmem:s29+$0xDC00]  }
0x92: {  	v6 =	vld [tilespmem:s29+$0xDC10]  }
0x93: {  	v4 =	vld [tilespmem:s29+$0xDC20]  }
0x94: {  	v3 =	vld [tilespmem:s29+$0xDC30]  }
0x95: {  	v0 =	vld [tilespmem:s29+$0xDC40];
	v7 =	vmul.f32 $1.131370830e+01, v1  }
0x96: {  	v1 =	vld [tilespmem:s29+$0xDC50];
	v5 =	vmul.f32 $1.131370830e+01, v5  }
0x97: {  	s28 =	simm.s32 $0x80;
	s30 =	simm.s32 $0x400;
	v2 =	vld [tilespmem:s29+$0xDC60];
	v6 =	vmul.f32 $1.131370830e+01, v6;
	[tilespmem:s29+$0x19C70] =	vst v7  }
.LBB2_9:
0x98: {  	p1 =	sne.s32 s30, $0xFE00;
	v7 =	vld [tilespmem:s28+$0xDC70];
	[tilespmem:s29+$0x19C00] =	vst v5;
	v4 =	vmul.f32 $1.131370830e+01, v4  }
0x99: {  	v5 =	vld [tilespmem:s28+$0xDC00];
	[tilespmem:s29+$0x19C10] =	vst v6;
	v3 =	vmul.f32 $1.131370830e+01, v3  }
0x9a: {  	v6 =	vld [tilespmem:s28+$0xDC10];
	[tilespmem:s29+$0x19C20] =	vst v4;
	v0 =	vmul.f32 $1.131370830e+01, v0  }
.Ltmp5:
0x9b: {  	v4 =	vld [tilespmem:s28+$0xDC20];
	[tilespmem:s29+$0x19C30] =	vst v3;
	v1 =	vmul.f32 $1.131370830e+01, v1;
	(pc) =	sbr.rel @p1 .LBB2_9-.Ltmp5, $4  }
0x9c: {  	v3 =	vld [tilespmem:s28+$0xDC30];
	[tilespmem:s29+$0x19C40] =	vst v0;
	v2 =	vmul.f32 $1.131370830e+01, v2  }
0x9d: {  	v0 =	vld [tilespmem:s28+$0xDC40];
	v7 =	vmul.f32 $1.131370830e+01, v7;
	[tilespmem:s29+$0x19C50] =	vst v1  }
0x9e: {  	v5 =	vmul.f32 $1.131370830e+01, v5;
	v1 =	vld [tilespmem:s28+$0xDC50];
	[tilespmem:s29+$0x19C60] =	vst v2;
	s29 =	smov.u32 s28  }
0x9f: {  	s28 =	sshra.s32 s30, $0x2;
	s30 =	sadd.s32 $0x200, s30;
	v6 =	vmul.f32 $1.131370830e+01, v6;
	v2 =	vld [tilespmem:s29+$0xDC60];
	[tilespmem:s29+$0x19C70] =	vst v7  }
0xa0: {  	v7 =	vld [tilespmem:s28+$0xDC70];
	[tilespmem:s29+$0x19C00] =	vst v5;
	v4 =	vmul.f32 $1.131370830e+01, v4  }
0xa1: {  	v5 =	vld [tilespmem:s28+$0xDC00];
	[tilespmem:s29+$0x19C10] =	vst v6;
	v3 =	vmul.f32 $1.131370830e+01, v3  }
0xa2: {  	v6 =	vld [tilespmem:s28+$0xDC10];
	[tilespmem:s29+$0x19C20] =	vst v4;
	v0 =	vmul.f32 $1.131370830e+01, v0  }
0xa3: {  	v4 =	vld [tilespmem:s28+$0xDC20];
	[tilespmem:s29+$0x19C30] =	vst v3;
	v1 =	vmul.f32 $1.131370830e+01, v1  }
0xa4: {  	v3 =	vld [tilespmem:s28+$0xDC30];
	[tilespmem:s29+$0x19C40] =	vst v0;
	v2 =	vmul.f32 $1.131370830e+01, v2  }
0xa5: {  	v0 =	vld [tilespmem:s28+$0xDC40];
	[tilespmem:s29+$0x19C50] =	vst v1;
	v7 =	vmul.f32 $1.131370830e+01, v7  }
0xa6: {  	v1 =	vld [tilespmem:s28+$0xDC50];
	[tilespmem:s29+$0x19C60] =	vst v2;
	v2 =	vmul.f32 $1.131370830e+01, v5  }
0xa7: {  	v5 =	vld [tilespmem:s28+$0xDC60];
	v6 =	vmul.f32 $1.131370830e+01, v6;
	[tilespmem:s28+$0x19C70] =	vst v7  }
0xa8: {  	[tilespmem:s28+$0x19C00] =	vst v2;
	v2 =	vmul.f32 $1.131370830e+01, v4  }
0xa9: {  	[tilespmem:s28+$0x19C10] =	vst v6;
	v3 =	vmul.f32 $1.131370830e+01, v3  }
0xaa: {  	[tilespmem:s28+$0x19C20] =	vst v2;
	v0 =	vmul.f32 $1.131370830e+01, v0  }
0xab: {  	[tilespmem:s28+$0x19C30] =	vst v3;
	v1 =	vmul.f32 $1.131370830e+01, v1  }
0xac: {  	[tilespmem:s28+$0x19C40] =	vst v0;
	v0 =	vmul.f32 $1.131370830e+01, v5  }
0xad: {  	[tilespmem:s28+$0x19C50] =	vst v1  }
0xae: {  	s26 =	sadd.s32 @!p0 $0x400, s26;
	s29 =	simm.s32 @!p0 $0xDC00;
	[tilespmem:s28+$0x19C60] =	vst v0;
	s28 =	simm.s32 @!p0 $0x80  }
0xaf: {  	[tilespmem:s29], [sflag:$0x4] =	stream.indirect.gather @!p0 [hbm4b:s2+s28], $0x80, s26, s28, $0xb8;
	[tilespmem:$0x1DC00] =	vst v63  }
0xb0: {  	_ =	swait.ge [sflag:s21], $0x4000  }
0xb1: {  	[sflag:s21] =	ssyncset.done $0x0  }
0xb2: {  	s28 =	simm.s32 $0x0;
	[sflag:s21] =	ssyncadd.s32 $0xFFFFC000  }
0xb3: {  	v1 =	vld [tilespmem:s28+$0x11C70]  }
0xb4: {  	v5 =	vld [tilespmem:s28+$0x11C00]  }
0xb5: {  	v6 =	vld [tilespmem:s28+$0x11C10]  }
0xb6: {  	v4 =	vld [tilespmem:s28+$0x11C20]  }
0xb7: {  	v3 =	vld [tilespmem:s28+$0x11C30]  }
0xb8: {  	v0 =	vld [tilespmem:s28+$0x11C40];
	v7 =	vmul.f32 $1.131370830e+01, v1  }
0xb9: {  	v1 =	vld [tilespmem:s28+$0x11C50];
	v5 =	vmul.f32 $1.131370830e+01, v5  }
0xba: {  	s26 =	simm.s32 $0x80;
	s29 =	simm.s32 $0x400;
	v2 =	vld [tilespmem:s28+$0x11C60];
	v6 =	vmul.f32 $1.131370830e+01, v6;
	[tilespmem:s28+$0x15C70] =	vst v7  }
.LBB2_11:
0xbb: {  	p1 =	sne.s32 s29, $0xFE00;
	v7 =	vld [tilespmem:s26+$0x11C70];
	[tilespmem:s28+$0x15C00] =	vst v5;
	v4 =	vmul.f32 $1.131370830e+01, v4  }
0xbc: {  	v5 =	vld [tilespmem:s26+$0x11C00];
	[tilespmem:s28+$0x15C10] =	vst v6;
	v3 =	vmul.f32 $1.131370830e+01, v3  }
0xbd: {  	v6 =	vld [tilespmem:s26+$0x11C10];
	[tilespmem:s28+$0x15C20] =	vst v4;
	v0 =	vmul.f32 $1.131370830e+01, v0  }
.Ltmp6:
0xbe: {  	v4 =	vld [tilespmem:s26+$0x11C20];
	[tilespmem:s28+$0x15C30] =	vst v3;
	v1 =	vmul.f32 $1.131370830e+01, v1;
	(pc) =	sbr.rel @p1 .LBB2_11-.Ltmp6, $4  }
0xbf: {  	v3 =	vld [tilespmem:s26+$0x11C30];
	[tilespmem:s28+$0x15C40] =	vst v0;
	v2 =	vmul.f32 $1.131370830e+01, v2  }
0xc0: {  	v0 =	vld [tilespmem:s26+$0x11C40];
	v7 =	vmul.f32 $1.131370830e+01, v7;
	[tilespmem:s28+$0x15C50] =	vst v1  }
0xc1: {  	v5 =	vmul.f32 $1.131370830e+01, v5;
	v1 =	vld [tilespmem:s26+$0x11C50];
	[tilespmem:s28+$0x15C60] =	vst v2;
	s28 =	smov.u32 s26  }
0xc2: {  	s26 =	sshra.s32 s29, $0x2;
	s29 =	sadd.s32 $0x200, s29;
	v6 =	vmul.f32 $1.131370830e+01, v6;
	v2 =	vld [tilespmem:s28+$0x11C60];
	[tilespmem:s28+$0x15C70] =	vst v7  }
0xc3: {  	v7 =	vld [tilespmem:s26+$0x11C70];
	[tilespmem:s28+$0x15C00] =	vst v5;
	v4 =	vmul.f32 $1.131370830e+01, v4  }
0xc4: {  	v5 =	vld [tilespmem:s26+$0x11C00];
	[tilespmem:s28+$0x15C10] =	vst v6;
	v3 =	vmul.f32 $1.131370830e+01, v3  }
0xc5: {  	v6 =	vld [tilespmem:s26+$0x11C10];
	[tilespmem:s28+$0x15C20] =	vst v4;
	v0 =	vmul.f32 $1.131370830e+01, v0  }
0xc6: {  	v4 =	vld [tilespmem:s26+$0x11C20];
	[tilespmem:s28+$0x15C30] =	vst v3;
	v1 =	vmul.f32 $1.131370830e+01, v1  }
0xc7: {  	v3 =	vld [tilespmem:s26+$0x11C30];
	[tilespmem:s28+$0x15C40] =	vst v0;
	v2 =	vmul.f32 $1.131370830e+01, v2  }
0xc8: {  	v0 =	vld [tilespmem:s26+$0x11C40];
	[tilespmem:s28+$0x15C50] =	vst v1;
	v7 =	vmul.f32 $1.131370830e+01, v7  }
0xc9: {  	v1 =	vld [tilespmem:s26+$0x11C50];
	[tilespmem:s28+$0x15C60] =	vst v2;
	v60 =	vmul.f32 $1.131370830e+01, v5  }
0xca: {  	v61 =	vld [tilespmem:s26+$0x11C60];
	v6 =	vmul.f32 $1.131370830e+01, v6;
	[tilespmem:s26+$0x15C70] =	vst v7  }
0xcb: {  	[tilespmem:s26+$0x15C00] =	vst v60;
	v62 =	vmul.f32 $1.131370830e+01, v4  }
0xcc: {  	[tilespmem:s26+$0x15C10] =	vst v6;
	v3 =	vmul.f32 $1.131370830e+01, v3  }
.Ltmp7:
0xcd: {  	[tilespmem:s26+$0x15C20] =	vst v62;
	v0 =	vmul.f32 $1.131370830e+01, v0;
	(pc) =	sbr.rel @p0 .LBB2_14-.Ltmp7, $4  }
0xce: {  	[tilespmem:s26+$0x15C30] =	vst v3;
	v1 =	vmul.f32 $1.131370830e+01, v1  }
0xcf: {  	[tilespmem:s26+$0x15C40] =	vst v0;
	v63 =	vmul.f32 $1.131370830e+01, v61  }
0xd0: {  	[tilespmem:s26+$0x15C50] =	vst v1  }
0xd1: {  	[tilespmem:s26+$0x15C60] =	vst v63  }
0xd2: {  	s26 =	smul.u32 $0xA00, s25  }
.Ltmp8:
0xd3: {  	_ = 	snop;
	(pc) =	sbr.rel .LBB2_2-.Ltmp8, $4  }
0xd4: {  	_ = 	snop  }
0xd5: {  	s26 =	sshra.s32 s26, $0x2  }
0xd6: {  	s25 =	sadd.s32 $0x1, s25;
	s26 =	sadd.s32 $0x480, s26  }
0xd7: {  	[tilespmem:s16], [sflag:$0x5] =	stream.indirect.gather [hbm4b:s2+s8], $0x80, s26, s8, $0xb8;
	[tilespmem:$0x1DC00] =	vst v63  }
.LBB2_15:
0xd8: {  	_ =	sfence.sel $0x180000  }
0xd9: {  	[bflag:$0x0] =	sbarrier.arrive $0xFFFF  }
0xda: {  	p0 =	sne.s32 s0, $0x0;
	_ =	strace $0x90000047  }
0xdb: {  	s0 =	sadd.s32 @!p0 $0x100000, s1;
	[bflag:$0x2] =	sbarrier.arrive $0xFFFF  }
0xdc: {  	[sflag:s0] =	ssyncadd.tile.s32 @!p0 $0x1;
	_ =	shalt  }
.Lfunc_end2:
_tile_overlayer_lowered:
.L_overlay_start_2:
0xdd: {  	(tag) =	ssettag $0x2  }
0xde: {  	s0 =	rddreg [dreg:$0x0];
	s2 =	stileid.u32  }
0xdf: {  	s1 =	rddreg [dreg:$0x1];
	p0 =	sne.s32 s2, $0x0  }
0xe0: {  	s3 =	rddreg [dreg:$0x2];
	[bflag:$0x3] =	sbarrier.arrive $0xFFFF;
	s2 =	simm.s32 @!p0 $0x1C07  }
0xe1: {  	[timem:s3], [sflag:s2] =	dma.local @!p0 [hbm:s0], s1  }
0xe2: {  	s0 =	simm.s32 @!p0 $0x7  }
0xe3: {  	_ =	swait.ge @!p0 [sflag:s0], s1  }
0xe4: {  	s1 =	ssub.s32 @!p0 $0x0, s1;
	[sflag:s0] =	ssyncset.done @!p0 $0x0  }
0xe5: {  	[sflag:s0] =	ssyncadd.s32 @!p0 s1  }
0xe6: {  	[bflag:$0x3] =	sbarrier.arrive $0xFFFF  }
0xe7: {  	_ =	shalt  }

</sc_bundles>
